<compile_context>
chip_gen: v7x
topology: tpu7x:2x2x1
jax: 0.10.2.dev20260603
libtpu: 0.0.44.dev20260713+nightly
codegen_flags: <defaults>
</compile_context>

<pallas_src>
import functools

import jax
import jax.numpy as jnp
from jax import lax
from jax.experimental import pallas as pl
from jax.experimental.pallas import tpu as pltpu
from jax.experimental.pallas import tpu_sc as plsc

_EPS = 1e-12
_L = 16
_C = 128


_GATHER_DNUMS = lax.GatherDimensionNumbers(
    offset_dims=(), collapsed_slice_dims=(0,), start_index_map=(0,))


def _permute(v, idx):
    return lax.gather(v, idx[:, None], _GATHER_DNUMS, slice_sizes=(1,),
                      mode=lax.GatherScatterMode.PROMISE_IN_BOUNDS)


def _lanesum(v):
    idx = lax.iota(jnp.int32, _L)
    for sh in (8, 4, 2, 1):
        v = v + _permute(v, idx ^ sh)
    return v


def _splat0(v):
    return _permute(v, jnp.zeros((_L,), jnp.int32))


def _rsqrt16(v):
    i = lax.bitcast_convert_type(v, jnp.int32)
    i = jnp.int32(0x5F3759DF) - (i >> 1)
    y = lax.bitcast_convert_type(i, jnp.float32)
    for _ in range(3):
        y = y * (1.5 - 0.5 * v * y * y)
    return y


def _make_sc_kernel(N, V, H, P, T):
    info = plsc.get_sparse_core_info()
    NC, NS = info.num_cores, info.num_subcores
    NW = NC * NS
    assert N % (NW * _C) == 0 and H == 128 and P % _C == 0
    per_w = N // NW
    chunks = per_w // _C
    sper = P // _C

    mesh = plsc.VectorSubcoreMesh(core_axis_name="c", subcore_axis_name="s")

    @functools.partial(
        pl.kernel,
        mesh=mesh,
        out_type=jax.ShapeDtypeStruct((N, H), jnp.float32),
        scratch_types=[
            pltpu.VMEM((P, H), jnp.float32),
            pltpu.VMEM((T, H), jnp.float32),
            pltpu.VMEM((H,), jnp.float32),
            pltpu.VMEM((H,), jnp.float32),
            pltpu.VMEM((H,), jnp.float32),
            pltpu.VMEM((_C,), jnp.int32),
            pltpu.VMEM((_C + _L,), jnp.int32),
            pltpu.VMEM((_C, H), jnp.float32),
            pltpu.SemaphoreType.DMA,
        ],
    )
    def k(ids_hbm, tt_hbm, word_hbm, pos_hbm, type_hbm, gamma_hbm, beta_hbm,
          out_hbm, pos_v, ty_v, d_v, g_v, b_v, idx_v, tt_v, rows_v, sem):
        wid = lax.axis_index("s") * NC + lax.axis_index("c")
        base = wid * per_w

        pltpu.sync_copy(pos_hbm, pos_v)
        pltpu.sync_copy(type_hbm, ty_v)
        pltpu.sync_copy(gamma_hbm, g_v)
        pltpu.sync_copy(beta_hbm, b_v)

        for j in range(H // _L):
            sl = pl.ds(j * _L, _L)
            d_v[sl] = ty_v[1, sl] - ty_v[0, sl]

        def bias_pos(s, carry):
            for j in range(H // _L):
                sl = pl.ds(j * _L, _L)
                pos_v[s, sl] = pos_v[s, sl] + ty_v[0, sl]
            return carry

        lax.fori_loop(0, P, bias_pos, 0)

        def row_body(s0):
            def body(i, carry):
                s = s0 + i
                tf = _splat0(tt_v[pl.ds(i, _L)]).astype(jnp.float32)
                xs = []
                acc1 = jnp.zeros((_L,), jnp.float32)
                acc2 = jnp.zeros((_L,), jnp.float32)
                for j in range(H // _L):
                    sl = pl.ds(j * _L, _L)
                    x = rows_v[i, sl] + pos_v[s, sl] + tf * d_v[sl]
                    xs.append(x)
                    acc1 = acc1 + x
                    acc2 = acc2 + x * x
                mv = _lanesum(acc1) * (1.0 / H)
                var = _lanesum(acc2) * (1.0 / H) - mv * mv
                r = _rsqrt16(var + _EPS)
                for j in range(H // _L):
                    sl = pl.ds(j * _L, _L)
                    y = (xs[j] - mv) * r
                    rows_v[i, sl] = y * g_v[sl] + b_v[sl]
                return carry
            return body

        def chunk(g, carry):
            off = base + g * _C
            s0 = lax.rem(g, sper) * _C
            pltpu.sync_copy(ids_hbm.at[pl.ds(off, _C)], idx_v)
            pltpu.sync_copy(tt_hbm.at[pl.ds(off, _C)], tt_v.at[pl.ds(0, _C)])
            pltpu.async_copy(word_hbm.at[idx_v], rows_v, sem).wait()
            lax.fori_loop(0, _C, row_body(s0), 0)
            pltpu.sync_copy(rows_v, out_hbm.at[pl.ds(off, _C)])
            return carry

        lax.fori_loop(0, chunks, chunk, 0)

    return k


def kernel(input_ids, token_type_ids, word_emb, pos_emb, type_emb, gamma, beta):
    B, S = input_ids.shape
    V, H = word_emb.shape
    P = pos_emb.shape[0]
    T = type_emb.shape[0]
    N = B * S
    ids = input_ids.reshape(N).astype(jnp.int32)
    tts = token_type_ids.reshape(N).astype(jnp.int32)
    k = _make_sc_kernel(N, V, H, P, T)
    out = k(ids, tts,
            word_emb.astype(jnp.float32), pos_emb.astype(jnp.float32),
            type_emb.astype(jnp.float32), gamma.astype(jnp.float32),
            beta.astype(jnp.float32))
    return out.reshape(B, S, H)

# --- scband reference (transcript-rebuilt; emitter-appended) ---
"""Pipeline reference for scband-bert-embeddings-46763603918858 (READ-ONLY COPY).

The authoritative reference and input builder live on the scoring server;
editing this copy changes nothing except your own understanding.
"""

import jax, jax.numpy as jnp
import numpy as np

VOCAB = 100000
HIDDEN = 128
MAX_POS = 512
TYPE_VOCAB = 2
BATCH = 1024
SEQ = 512
EPS = 1e-12


def setup_inputs(seed: int = 0) -> dict:
    key = jax.random.key(seed)
    k_ids, k_tt, k_w, k_p, k_t = jax.random.split(key, 5)
    input_ids = jax.random.randint(k_ids, (BATCH, SEQ), 0, VOCAB, dtype=jnp.int64)
    token_type_ids = jax.random.randint(k_tt, (BATCH, SEQ), 0, TYPE_VOCAB, dtype=jnp.int64)
    word_emb = jax.random.normal(k_w, (VOCAB, HIDDEN), dtype=jnp.float32) * 0.02
    pos_emb = jax.random.normal(k_p, (MAX_POS, HIDDEN), dtype=jnp.float32) * 0.02
    type_emb = jax.random.normal(k_t, (TYPE_VOCAB, HIDDEN), dtype=jnp.float32) * 0.02
    gamma = jnp.ones((HIDDEN,), dtype=jnp.float32)
    beta = jnp.zeros((HIDDEN,), dtype=jnp.float32)
    return {
        "input_ids": input_ids,
        "token_type_ids": token_type_ids,
        "word_emb": word_emb,
        "pos_emb": pos_emb,
        "type_emb": type_emb,
        "gamma": gamma,
        "beta": beta,
    }


def reference(input_ids, token_type_ids, word_emb, pos_emb, type_emb, gamma, beta):
    seq_length = input_ids.shape[1]
    position_ids = jnp.arange(seq_length, dtype=jnp.int32)[None, :]  # [1, S], broadcasts
    words_embeddings = jnp.take(word_emb, input_ids, axis=0)          # [B, S, H] gather
    position_embeddings = jnp.take(pos_emb, position_ids, axis=0)     # [1, S, H]
    token_type_embeddings = jnp.take(type_emb, token_type_ids, axis=0)  # [B, S, H]
    embeddings = words_embeddings + position_embeddings + token_type_embeddings
    # LayerNorm (torch uses biased variance), eps=1e-12
    mean = jnp.mean(embeddings, axis=-1, keepdims=True)
    var = jnp.mean(jnp.square(embeddings - mean), axis=-1, keepdims=True)
    normed = (embeddings - mean) / jnp.sqrt(var + EPS)
    out = normed * gamma + beta
    # dropout is identity at inference
    return out

if __name__ == "__main__":
    import jax
    _d = setup_inputs()
    print(jax.jit(kernel)(*tuple(_d.values())))

</pallas_src>

<mosaic_0001>
#map = affine_map<(d0, d1) -> (0)>
#map1 = affine_map<(d0, d1) -> (0, 0)>
module attributes {stable_mosaic.version = 14 : i64} {
  func.func @k(%arg0: i32, %arg1: i32, %arg2: memref<524288xi32, #tpu.memory_space<hbm>>, %arg3: memref<524288xi32, #tpu.memory_space<hbm>>, %arg4: memref<100000x128xf32, #tpu.memory_space<hbm>>, %arg5: memref<512x128xf32, #tpu.memory_space<hbm>>, %arg6: memref<2x128xf32, #tpu.memory_space<hbm>>, %arg7: memref<128xf32, #tpu.memory_space<hbm>>, %arg8: memref<128xf32, #tpu.memory_space<hbm>>, %arg9: memref<524288x128xf32, #tpu.memory_space<hbm>>, %arg10: memref<512x128xf32, #tpu.memory_space<vmem>>, %arg11: memref<2x128xf32, #tpu.memory_space<vmem>>, %arg12: memref<128xf32, #tpu.memory_space<vmem>>, %arg13: memref<128xf32, #tpu.memory_space<vmem>>, %arg14: memref<128xf32, #tpu.memory_space<vmem>>, %arg15: memref<128xi32, #tpu.memory_space<vmem>>, %arg16: memref<144xi32, #tpu.memory_space<vmem>>, %arg17: memref<128x128xf32, #tpu.memory_space<vmem>>, %arg18: memref<!tpu.dma_semaphore, #tpu.memory_space<semaphore_mem>>) attributes {dimension_semantics = [#tpu.dimension_semantics<core_parallel>, #tpu.dimension_semantics<subcore_parallel>], iteration_bounds = array<i64: 2, 16>, scalar_prefetch = 0 : i64, scratch_operands = 9 : i64, tpu.core_type = #tpu.core_type<sc_vector_subcore>, window_params = [{transform_indices = #map}, {transform_indices = #map}, {transform_indices = #map1}, {transform_indices = #map1}, {transform_indices = #map1}, {transform_indices = #map}, {transform_indices = #map}, {transform_indices = #map1}]} {
    %mul3A = arith.constant 2 : i32
    %mul3A_0 = arith.muli %arg1, %mul3A : i32
    %add3A = arith.addi %mul3A_0, %arg0 : i32
    %mul3A_1 = arith.constant 16384 : i32
    %mul3A_2 = arith.muli %add3A, %mul3A_1 : i32
    "tpu.region"() ({
      %run_scoped3A = tpu.sem_alloc : memref<!tpu.dma_semaphore, #tpu.memory_space<semaphore_mem>>
      tpu.enqueue_dma source(%arg5 : memref<512x128xf32, #tpu.memory_space<hbm>>) target(%arg10 : memref<512x128xf32, #tpu.memory_space<vmem>>) target_semaphore(%run_scoped3A : memref<!tpu.dma_semaphore, #tpu.memory_space<semaphore_mem>>)
      tpu.wait_dma2 semaphore(%run_scoped3A : memref<!tpu.dma_semaphore, #tpu.memory_space<semaphore_mem>>) src(%arg5 : memref<512x128xf32, #tpu.memory_space<hbm>>) dst(%arg10 : memref<512x128xf32, #tpu.memory_space<vmem>>)
      tpu.yield
    }) : () -> ()
    "tpu.region"() ({
      %run_scoped3A = tpu.sem_alloc : memref<!tpu.dma_semaphore, #tpu.memory_space<semaphore_mem>>
      tpu.enqueue_dma source(%arg6 : memref<2x128xf32, #tpu.memory_space<hbm>>) target(%arg11 : memref<2x128xf32, #tpu.memory_space<vmem>>) target_semaphore(%run_scoped3A : memref<!tpu.dma_semaphore, #tpu.memory_space<semaphore_mem>>)
      tpu.wait_dma2 semaphore(%run_scoped3A : memref<!tpu.dma_semaphore, #tpu.memory_space<semaphore_mem>>) src(%arg6 : memref<2x128xf32, #tpu.memory_space<hbm>>) dst(%arg11 : memref<2x128xf32, #tpu.memory_space<vmem>>)
      tpu.yield
    }) : () -> ()
    "tpu.region"() ({
      %run_scoped3A = tpu.sem_alloc : memref<!tpu.dma_semaphore, #tpu.memory_space<semaphore_mem>>
      tpu.enqueue_dma source(%arg7 : memref<128xf32, #tpu.memory_space<hbm>>) target(%arg13 : memref<128xf32, #tpu.memory_space<vmem>>) target_semaphore(%run_scoped3A : memref<!tpu.dma_semaphore, #tpu.memory_space<semaphore_mem>>)
      tpu.wait_dma2 semaphore(%run_scoped3A : memref<!tpu.dma_semaphore, #tpu.memory_space<semaphore_mem>>) src(%arg7 : memref<128xf32, #tpu.memory_space<hbm>>) dst(%arg13 : memref<128xf32, #tpu.memory_space<vmem>>)
      tpu.yield
    }) : () -> ()
    "tpu.region"() ({
      %run_scoped3A = tpu.sem_alloc : memref<!tpu.dma_semaphore, #tpu.memory_space<semaphore_mem>>
      tpu.enqueue_dma source(%arg8 : memref<128xf32, #tpu.memory_space<hbm>>) target(%arg14 : memref<128xf32, #tpu.memory_space<vmem>>) target_semaphore(%run_scoped3A : memref<!tpu.dma_semaphore, #tpu.memory_space<semaphore_mem>>)
      tpu.wait_dma2 semaphore(%run_scoped3A : memref<!tpu.dma_semaphore, #tpu.memory_space<semaphore_mem>>) src(%arg8 : memref<128xf32, #tpu.memory_space<hbm>>) dst(%arg14 : memref<128xf32, #tpu.memory_space<vmem>>)
      tpu.yield
    }) : () -> ()
    %get3A = arith.constant 1 : i32
    %get3A_3 = arith.index_cast %get3A : i32 to index
    %get3A_4 = arith.constant 0 : index
    %get3A_5 = tpu.vector_load %arg11[%get3A_3, %get3A_4] {strides = array<i32>} : memref<2x128xf32, #tpu.memory_space<vmem>>, vector<1x16xf32>,
    %get3A_6 = vector.shape_cast %get3A_5 : vector<1x16xf32> to vector<16xf32>
    %get3A_7 = arith.constant 0 : i32
    %get3A_8 = arith.index_cast %get3A_7 : i32 to index
    %get3A_9 = arith.constant 0 : index
    %get3A_10 = tpu.vector_load %arg11[%get3A_8, %get3A_9] {strides = array<i32>} : memref<2x128xf32, #tpu.memory_space<vmem>>, vector<1x16xf32>,
    %get3A_11 = vector.shape_cast %get3A_10 : vector<1x16xf32> to vector<16xf32>
    %sub3A = arith.subf %get3A_6, %get3A_11 : vector<16xf32>
    %swap3A = arith.constant 0 : index
    %swap3A_12 = tpu.vector_load %arg12[%swap3A] {strides = array<i32>} : memref<128xf32, #tpu.memory_space<vmem>>, vector<16xf32>,
    %swap3A_13 = vector.shape_cast %swap3A_12 : vector<16xf32> to vector<16xf32>
    %swap3A_14 = vector.shape_cast %sub3A : vector<16xf32> to vector<16xf32>
    tpu.vector_store %arg12[%swap3A], %swap3A_14 {strides = array<i32>} : memref<128xf32, #tpu.memory_space<vmem>>, vector<16xf32>,
    %get3A_15 = arith.constant 1 : i32
    %get3A_16 = arith.index_cast %get3A_15 : i32 to index
    %get3A_17 = arith.constant 16 : index
    %get3A_18 = tpu.vector_load %arg11[%get3A_16, %get3A_17] {strides = array<i32>} : memref<2x128xf32, #tpu.memory_space<vmem>>, vector<1x16xf32>,
    %get3A_19 = vector.shape_cast %get3A_18 : vector<1x16xf32> to vector<16xf32>
    %get3A_20 = arith.constant 0 : i32
    %get3A_21 = arith.index_cast %get3A_20 : i32 to index
    %get3A_22 = arith.constant 16 : index
    %get3A_23 = tpu.vector_load %arg11[%get3A_21, %get3A_22] {strides = array<i32>} : memref<2x128xf32, #tpu.memory_space<vmem>>, vector<1x16xf32>,
    %get3A_24 = vector.shape_cast %get3A_23 : vector<1x16xf32> to vector<16xf32>
    %sub3A_25 = arith.subf %get3A_19, %get3A_24 : vector<16xf32>
    %swap3A_26 = arith.constant 16 : index
    %swap3A_27 = tpu.vector_load %arg12[%swap3A_26] {strides = array<i32>} : memref<128xf32, #tpu.memory_space<vmem>>, vector<16xf32>,
    %swap3A_28 = vector.shape_cast %swap3A_27 : vector<16xf32> to vector<16xf32>
    %swap3A_29 = vector.shape_cast %sub3A_25 : vector<16xf32> to vector<16xf32>
    tpu.vector_store %arg12[%swap3A_26], %swap3A_29 {strides = array<i32>} : memref<128xf32, #tpu.memory_space<vmem>>, vector<16xf32>,
    %get3A_30 = arith.constant 1 : i32
    %get3A_31 = arith.index_cast %get3A_30 : i32 to index
    %get3A_32 = arith.constant 32 : index
    %get3A_33 = tpu.vector_load %arg11[%get3A_31, %get3A_32] {strides = array<i32>} : memref<2x128xf32, #tpu.memory_space<vmem>>, vector<1x16xf32>,
    %get3A_34 = vector.shape_cast %get3A_33 : vector<1x16xf32> to vector<16xf32>
    %get3A_35 = arith.constant 0 : i32
    %get3A_36 = arith.index_cast %get3A_35 : i32 to index
    %get3A_37 = arith.constant 32 : index
    %get3A_38 = tpu.vector_load %arg11[%get3A_36, %get3A_37] {strides = array<i32>} : memref<2x128xf32, #tpu.memory_space<vmem>>, vector<1x16xf32>,
    %get3A_39 = vector.shape_cast %get3A_38 : vector<1x16xf32> to vector<16xf32>
    %sub3A_40 = arith.subf %get3A_34, %get3A_39 : vector<16xf32>
    %swap3A_41 = arith.constant 32 : index
    %swap3A_42 = tpu.vector_load %arg12[%swap3A_41] {strides = array<i32>} : memref<128xf32, #tpu.memory_space<vmem>>, vector<16xf32>,
    %swap3A_43 = vector.shape_cast %swap3A_42 : vector<16xf32> to vector<16xf32>
    %swap3A_44 = vector.shape_cast %sub3A_40 : vector<16xf32> to vector<16xf32>
    tpu.vector_store %arg12[%swap3A_41], %swap3A_44 {strides = array<i32>} : memref<128xf32, #tpu.memory_space<vmem>>, vector<16xf32>,
    %get3A_45 = arith.constant 1 : i32
    %get3A_46 = arith.index_cast %get3A_45 : i32 to index
    %get3A_47 = arith.constant 48 : index
    %get3A_48 = tpu.vector_load %arg11[%get3A_46, %get3A_47] {strides = array<i32>} : memref<2x128xf32, #tpu.memory_space<vmem>>, vector<1x16xf32>,
    %get3A_49 = vector.shape_cast %get3A_48 : vector<1x16xf32> to vector<16xf32>
    %get3A_50 = arith.constant 0 : i32
    %get3A_51 = arith.index_cast %get3A_50 : i32 to index
    %get3A_52 = arith.constant 48 : index
    %get3A_53 = tpu.vector_load %arg11[%get3A_51, %get3A_52] {strides = array<i32>} : memref<2x128xf32, #tpu.memory_space<vmem>>, vector<1x16xf32>,
    %get3A_54 = vector.shape_cast %get3A_53 : vector<1x16xf32> to vector<16xf32>
    %sub3A_55 = arith.subf %get3A_49, %get3A_54 : vector<16xf32>
    %swap3A_56 = arith.constant 48 : index
    %swap3A_57 = tpu.vector_load %arg12[%swap3A_56] {strides = array<i32>} : memref<128xf32, #tpu.memory_space<vmem>>, vector<16xf32>,
    %swap3A_58 = vector.shape_cast %swap3A_57 : vector<16xf32> to vector<16xf32>
    %swap3A_59 = vector.shape_cast %sub3A_55 : vector<16xf32> to vector<16xf32>
    tpu.vector_store %arg12[%swap3A_56], %swap3A_59 {strides = array<i32>} : memref<128xf32, #tpu.memory_space<vmem>>, vector<16xf32>,
    %get3A_60 = arith.constant 1 : i32
    %get3A_61 = arith.index_cast %get3A_60 : i32 to index
    %get3A_62 = arith.constant 64 : index
    %get3A_63 = tpu.vector_load %arg11[%get3A_61, %get3A_62] {strides = array<i32>} : memref<2x128xf32, #tpu.memory_space<vmem>>, vector<1x16xf32>,
    %get3A_64 = vector.shape_cast %get3A_63 : vector<1x16xf32> to vector<16xf32>
    %get3A_65 = arith.constant 0 : i32
    %get3A_66 = arith.index_cast %get3A_65 : i32 to index
    %get3A_67 = arith.constant 64 : index
    %get3A_68 = tpu.vector_load %arg11[%get3A_66, %get3A_67] {strides = array<i32>} : memref<2x128xf32, #tpu.memory_space<vmem>>, vector<1x16xf32>,
    %get3A_69 = vector.shape_cast %get3A_68 : vector<1x16xf32> to vector<16xf32>
    %sub3A_70 = arith.subf %get3A_64, %get3A_69 : vector<16xf32>
    %swap3A_71 = arith.constant 64 : index
    %swap3A_72 = tpu.vector_load %arg12[%swap3A_71] {strides = array<i32>} : memref<128xf32, #tpu.memory_space<vmem>>, vector<16xf32>,
    %swap3A_73 = vector.shape_cast %swap3A_72 : vector<16xf32> to vector<16xf32>
    %swap3A_74 = vector.shape_cast %sub3A_70 : vector<16xf32> to vector<16xf32>
    tpu.vector_store %arg12[%swap3A_71], %swap3A_74 {strides = array<i32>} : memref<128xf32, #tpu.memory_space<vmem>>, vector<16xf32>,
    %get3A_75 = arith.constant 1 : i32
    %get3A_76 = arith.index_cast %get3A_75 : i32 to index
    %get3A_77 = arith.constant 80 : index
    %get3A_78 = tpu.vector_load %arg11[%get3A_76, %get3A_77] {strides = array<i32>} : memref<2x128xf32, #tpu.memory_space<vmem>>, vector<1x16xf32>,
    %get3A_79 = vector.shape_cast %get3A_78 : vector<1x16xf32> to vector<16xf32>
    %get3A_80 = arith.constant 0 : i32
    %get3A_81 = arith.index_cast %get3A_80 : i32 to index
    %get3A_82 = arith.constant 80 : index
    %get3A_83 = tpu.vector_load %arg11[%get3A_81, %get3A_82] {strides = array<i32>} : memref<2x128xf32, #tpu.memory_space<vmem>>, vector<1x16xf32>,
    %get3A_84 = vector.shape_cast %get3A_83 : vector<1x16xf32> to vector<16xf32>
    %sub3A_85 = arith.subf %get3A_79, %get3A_84 : vector<16xf32>
    %swap3A_86 = arith.constant 80 : index
    %swap3A_87 = tpu.vector_load %arg12[%swap3A_86] {strides = array<i32>} : memref<128xf32, #tpu.memory_space<vmem>>, vector<16xf32>,
    %swap3A_88 = vector.shape_cast %swap3A_87 : vector<16xf32> to vector<16xf32>
    %swap3A_89 = vector.shape_cast %sub3A_85 : vector<16xf32> to vector<16xf32>
    tpu.vector_store %arg12[%swap3A_86], %swap3A_89 {strides = array<i32>} : memref<128xf32, #tpu.memory_space<vmem>>, vector<16xf32>,
    %get3A_90 = arith.constant 1 : i32
    %get3A_91 = arith.index_cast %get3A_90 : i32 to index
    %get3A_92 = arith.constant 96 : index
    %get3A_93 = tpu.vector_load %arg11[%get3A_91, %get3A_92] {strides = array<i32>} : memref<2x128xf32, #tpu.memory_space<vmem>>, vector<1x16xf32>,
    %get3A_94 = vector.shape_cast %get3A_93 : vector<1x16xf32> to vector<16xf32>
    %get3A_95 = arith.constant 0 : i32
    %get3A_96 = arith.index_cast %get3A_95 : i32 to index
    %get3A_97 = arith.constant 96 : index
    %get3A_98 = tpu.vector_load %arg11[%get3A_96, %get3A_97] {strides = array<i32>} : memref<2x128xf32, #tpu.memory_space<vmem>>, vector<1x16xf32>,
    %get3A_99 = vector.shape_cast %get3A_98 : vector<1x16xf32> to vector<16xf32>
    %sub3A_100 = arith.subf %get3A_94, %get3A_99 : vector<16xf32>
    %swap3A_101 = arith.constant 96 : index
    %swap3A_102 = tpu.vector_load %arg12[%swap3A_101] {strides = array<i32>} : memref<128xf32, #tpu.memory_space<vmem>>, vector<16xf32>,
    %swap3A_103 = vector.shape_cast %swap3A_102 : vector<16xf32> to vector<16xf32>
    %swap3A_104 = vector.shape_cast %sub3A_100 : vector<16xf32> to vector<16xf32>
    tpu.vector_store %arg12[%swap3A_101], %swap3A_104 {strides = array<i32>} : memref<128xf32, #tpu.memory_space<vmem>>, vector<16xf32>,
    %get3A_105 = arith.constant 1 : i32
    %get3A_106 = arith.index_cast %get3A_105 : i32 to index
    %get3A_107 = arith.constant 112 : index
    %get3A_108 = tpu.vector_load %arg11[%get3A_106, %get3A_107] {strides = array<i32>} : memref<2x128xf32, #tpu.memory_space<vmem>>, vector<1x16xf32>,
    %get3A_109 = vector.shape_cast %get3A_108 : vector<1x16xf32> to vector<16xf32>
    %get3A_110 = arith.constant 0 : i32
    %get3A_111 = arith.index_cast %get3A_110 : i32 to index
    %get3A_112 = arith.constant 112 : index
    %get3A_113 = tpu.vector_load %arg11[%get3A_111, %get3A_112] {strides = array<i32>} : memref<2x128xf32, #tpu.memory_space<vmem>>, vector<1x16xf32>,
    %get3A_114 = vector.shape_cast %get3A_113 : vector<1x16xf32> to vector<16xf32>
    %sub3A_115 = arith.subf %get3A_109, %get3A_114 : vector<16xf32>
    %swap3A_116 = arith.constant 112 : index
    %swap3A_117 = tpu.vector_load %arg12[%swap3A_116] {strides = array<i32>} : memref<128xf32, #tpu.memory_space<vmem>>, vector<16xf32>,
    %swap3A_118 = vector.shape_cast %swap3A_117 : vector<16xf32> to vector<16xf32>
    %swap3A_119 = vector.shape_cast %sub3A_115 : vector<16xf32> to vector<16xf32>
    tpu.vector_store %arg12[%swap3A_116], %swap3A_119 {strides = array<i32>} : memref<128xf32, #tpu.memory_space<vmem>>, vector<16xf32>,
    %scan3A = arith.constant 0 : i32
    %scan3A_120 = arith.constant 0 : i32
    %scan3A_121 = arith.constant 512 : i32
    %scan3A_122 = arith.addi %scan3A_120, %scan3A_121 : i32
    %scan3A_123 = arith.constant 1 : i32
    scf.for %scan3A_131 = %scan3A_120 to %scan3A_122 step %scan3A_123  : i32 {
      %get3A_132 = arith.index_cast %scan3A_131 : i32 to index
      %get3A_133 = arith.constant 0 : index
      %get3A_134 = tpu.vector_load %arg10[%get3A_132, %get3A_133] {strides = array<i32>} : memref<512x128xf32, #tpu.memory_space<vmem>>, vector<1x16xf32>,
      %get3A_135 = vector.shape_cast %get3A_134 : vector<1x16xf32> to vector<16xf32>
      %get3A_136 = arith.constant 0 : i32
      %get3A_137 = arith.index_cast %get3A_136 : i32 to index
      %get3A_138 = arith.constant 0 : index
      %get3A_139 = tpu.vector_load %arg11[%get3A_137, %get3A_138] {strides = array<i32>} : memref<2x128xf32, #tpu.memory_space<vmem>>, vector<1x16xf32>,
      %get3A_140 = vector.shape_cast %get3A_139 : vector<1x16xf32> to vector<16xf32>
      %add3A_141 = arith.addf %get3A_135, %get3A_140 : vector<16xf32>
      %swap3A_142 = arith.index_cast %scan3A_131 : i32 to index
      %swap3A_143 = arith.constant 0 : index
      %swap3A_144 = tpu.vector_load %arg10[%swap3A_142, %swap3A_143] {strides = array<i32>} : memref<512x128xf32, #tpu.memory_space<vmem>>, vector<1x16xf32>,
      %swap3A_145 = vector.shape_cast %swap3A_144 : vector<1x16xf32> to vector<16xf32>
      %swap3A_146 = vector.shape_cast %add3A_141 : vector<16xf32> to vector<1x16xf32>
      tpu.vector_store %arg10[%swap3A_142, %swap3A_143], %swap3A_146 {strides = array<i32>} : memref<512x128xf32, #tpu.memory_space<vmem>>, vector<1x16xf32>,
      %get3A_147 = arith.index_cast %scan3A_131 : i32 to index
      %get3A_148 = arith.constant 16 : index
      %get3A_149 = tpu.vector_load %arg10[%get3A_147, %get3A_148] {strides = array<i32>} : memref<512x128xf32, #tpu.memory_space<vmem>>, vector<1x16xf32>,
      %get3A_150 = vector.shape_cast %get3A_149 : vector<1x16xf32> to vector<16xf32>
      %get3A_151 = arith.constant 0 : i32
      %get3A_152 = arith.index_cast %get3A_151 : i32 to index
      %get3A_153 = arith.constant 16 : index
      %get3A_154 = tpu.vector_load %arg11[%get3A_152, %get3A_153] {strides = array<i32>} : memref<2x128xf32, #tpu.memory_space<vmem>>, vector<1x16xf32>,
      %get3A_155 = vector.shape_cast %get3A_154 : vector<1x16xf32> to vector<16xf32>
      %add3A_156 = arith.addf %get3A_150, %get3A_155 : vector<16xf32>
      %swap3A_157 = arith.index_cast %scan3A_131 : i32 to index
      %swap3A_158 = arith.constant 16 : index
      %swap3A_159 = tpu.vector_load %arg10[%swap3A_157, %swap3A_158] {strides = array<i32>} : memref<512x128xf32, #tpu.memory_space<vmem>>, vector<1x16xf32>,
      %swap3A_160 = vector.shape_cast %swap3A_159 : vector<1x16xf32> to vector<16xf32>
      %swap3A_161 = vector.shape_cast %add3A_156 : vector<16xf32> to vector<1x16xf32>
      tpu.vector_store %arg10[%swap3A_157, %swap3A_158], %swap3A_161 {strides = array<i32>} : memref<512x128xf32, #tpu.memory_space<vmem>>, vector<1x16xf32>,
      %get3A_162 = arith.index_cast %scan3A_131 : i32 to index
      %get3A_163 = arith.constant 32 : index
      %get3A_164 = tpu.vector_load %arg10[%get3A_162, %get3A_163] {strides = array<i32>} : memref<512x128xf32, #tpu.memory_space<vmem>>, vector<1x16xf32>,
      %get3A_165 = vector.shape_cast %get3A_164 : vector<1x16xf32> to vector<16xf32>
      %get3A_166 = arith.constant 0 : i32
      %get3A_167 = arith.index_cast %get3A_166 : i32 to index
      %get3A_168 = arith.constant 32 : index
      %get3A_169 = tpu.vector_load %arg11[%get3A_167, %get3A_168] {strides = array<i32>} : memref<2x128xf32, #tpu.memory_space<vmem>>, vector<1x16xf32>,
      %get3A_170 = vector.shape_cast %get3A_169 : vector<1x16xf32> to vector<16xf32>
      %add3A_171 = arith.addf %get3A_165, %get3A_170 : vector<16xf32>
      %swap3A_172 = arith.index_cast %scan3A_131 : i32 to index
      %swap3A_173 = arith.constant 32 : index
      %swap3A_174 = tpu.vector_load %arg10[%swap3A_172, %swap3A_173] {strides = array<i32>} : memref<512x128xf32, #tpu.memory_space<vmem>>, vector<1x16xf32>,
      %swap3A_175 = vector.shape_cast %swap3A_174 : vector<1x16xf32> to vector<16xf32>
      %swap3A_176 = vector.shape_cast %add3A_171 : vector<16xf32> to vector<1x16xf32>
      tpu.vector_store %arg10[%swap3A_172, %swap3A_173], %swap3A_176 {strides = array<i32>} : memref<512x128xf32, #tpu.memory_space<vmem>>, vector<1x16xf32>,
      %get3A_177 = arith.index_cast %scan3A_131 : i32 to index
      %get3A_178 = arith.constant 48 : index
      %get3A_179 = tpu.vector_load %arg10[%get3A_177, %get3A_178] {strides = array<i32>} : memref<512x128xf32, #tpu.memory_space<vmem>>, vector<1x16xf32>,
      %get3A_180 = vector.shape_cast %get3A_179 : vector<1x16xf32> to vector<16xf32>
      %get3A_181 = arith.constant 0 : i32
      %get3A_182 = arith.index_cast %get3A_181 : i32 to index
      %get3A_183 = arith.constant 48 : index
      %get3A_184 = tpu.vector_load %arg11[%get3A_182, %get3A_183] {strides = array<i32>} : memref<2x128xf32, #tpu.memory_space<vmem>>, vector<1x16xf32>,
      %get3A_185 = vector.shape_cast %get3A_184 : vector<1x16xf32> to vector<16xf32>
      %add3A_186 = arith.addf %get3A_180, %get3A_185 : vector<16xf32>
      %swap3A_187 = arith.index_cast %scan3A_131 : i32 to index
      %swap3A_188 = arith.constant 48 : index
      %swap3A_189 = tpu.vector_load %arg10[%swap3A_187, %swap3A_188] {strides = array<i32>} : memref<512x128xf32, #tpu.memory_space<vmem>>, vector<1x16xf32>,
      %swap3A_190 = vector.shape_cast %swap3A_189 : vector<1x16xf32> to vector<16xf32>
      %swap3A_191 = vector.shape_cast %add3A_186 : vector<16xf32> to vector<1x16xf32>
      tpu.vector_store %arg10[%swap3A_187, %swap3A_188], %swap3A_191 {strides = array<i32>} : memref<512x128xf32, #tpu.memory_space<vmem>>, vector<1x16xf32>,
      %get3A_192 = arith.index_cast %scan3A_131 : i32 to index
      %get3A_193 = arith.constant 64 : index
      %get3A_194 = tpu.vector_load %arg10[%get3A_192, %get3A_193] {strides = array<i32>} : memref<512x128xf32, #tpu.memory_space<vmem>>, vector<1x16xf32>,
      %get3A_195 = vector.shape_cast %get3A_194 : vector<1x16xf32> to vector<16xf32>
      %get3A_196 = arith.constant 0 : i32
      %get3A_197 = arith.index_cast %get3A_196 : i32 to index
      %get3A_198 = arith.constant 64 : index
      %get3A_199 = tpu.vector_load %arg11[%get3A_197, %get3A_198] {strides = array<i32>} : memref<2x128xf32, #tpu.memory_space<vmem>>, vector<1x16xf32>,
      %get3A_200 = vector.shape_cast %get3A_199 : vector<1x16xf32> to vector<16xf32>
      %add3A_201 = arith.addf %get3A_195, %get3A_200 : vector<16xf32>
      %swap3A_202 = arith.index_cast %scan3A_131 : i32 to index
      %swap3A_203 = arith.constant 64 : index
      %swap3A_204 = tpu.vector_load %arg10[%swap3A_202, %swap3A_203] {strides = array<i32>} : memref<512x128xf32, #tpu.memory_space<vmem>>, vector<1x16xf32>,
      %swap3A_205 = vector.shape_cast %swap3A_204 : vector<1x16xf32> to vector<16xf32>
      %swap3A_206 = vector.shape_cast %add3A_201 : vector<16xf32> to vector<1x16xf32>
      tpu.vector_store %arg10[%swap3A_202, %swap3A_203], %swap3A_206 {strides = array<i32>} : memref<512x128xf32, #tpu.memory_space<vmem>>, vector<1x16xf32>,
      %get3A_207 = arith.index_cast %scan3A_131 : i32 to index
      %get3A_208 = arith.constant 80 : index
      %get3A_209 = tpu.vector_load %arg10[%get3A_207, %get3A_208] {strides = array<i32>} : memref<512x128xf32, #tpu.memory_space<vmem>>, vector<1x16xf32>,
      %get3A_210 = vector.shape_cast %get3A_209 : vector<1x16xf32> to vector<16xf32>
      %get3A_211 = arith.constant 0 : i32
      %get3A_212 = arith.index_cast %get3A_211 : i32 to index
      %get3A_213 = arith.constant 80 : index
      %get3A_214 = tpu.vector_load %arg11[%get3A_212, %get3A_213] {strides = array<i32>} : memref<2x128xf32, #tpu.memory_space<vmem>>, vector<1x16xf32>,
      %get3A_215 = vector.shape_cast %get3A_214 : vector<1x16xf32> to vector<16xf32>
      %add3A_216 = arith.addf %get3A_210, %get3A_215 : vector<16xf32>
      %swap3A_217 = arith.index_cast %scan3A_131 : i32 to index
      %swap3A_218 = arith.constant 80 : index
      %swap3A_219 = tpu.vector_load %arg10[%swap3A_217, %swap3A_218] {strides = array<i32>} : memref<512x128xf32, #tpu.memory_space<vmem>>, vector<1x16xf32>,
      %swap3A_220 = vector.shape_cast %swap3A_219 : vector<1x16xf32> to vector<16xf32>
      %swap3A_221 = vector.shape_cast %add3A_216 : vector<16xf32> to vector<1x16xf32>
      tpu.vector_store %arg10[%swap3A_217, %swap3A_218], %swap3A_221 {strides = array<i32>} : memref<512x128xf32, #tpu.memory_space<vmem>>, vector<1x16xf32>,
      %get3A_222 = arith.index_cast %scan3A_131 : i32 to index
      %get3A_223 = arith.constant 96 : index
      %get3A_224 = tpu.vector_load %arg10[%get3A_222, %get3A_223] {strides = array<i32>} : memref<512x128xf32, #tpu.memory_space<vmem>>, vector<1x16xf32>,
      %get3A_225 = vector.shape_cast %get3A_224 : vector<1x16xf32> to vector<16xf32>
      %get3A_226 = arith.constant 0 : i32
      %get3A_227 = arith.index_cast %get3A_226 : i32 to index
      %get3A_228 = arith.constant 96 : index
      %get3A_229 = tpu.vector_load %arg11[%get3A_227, %get3A_228] {strides = array<i32>} : memref<2x128xf32, #tpu.memory_space<vmem>>, vector<1x16xf32>,
      %get3A_230 = vector.shape_cast %get3A_229 : vector<1x16xf32> to vector<16xf32>
      %add3A_231 = arith.addf %get3A_225, %get3A_230 : vector<16xf32>
      %swap3A_232 = arith.index_cast %scan3A_131 : i32 to index
      %swap3A_233 = arith.constant 96 : index
      %swap3A_234 = tpu.vector_load %arg10[%swap3A_232, %swap3A_233] {strides = array<i32>} : memref<512x128xf32, #tpu.memory_space<vmem>>, vector<1x16xf32>,
      %swap3A_235 = vector.shape_cast %swap3A_234 : vector<1x16xf32> to vector<16xf32>
      %swap3A_236 = vector.shape_cast %add3A_231 : vector<16xf32> to vector<1x16xf32>
      tpu.vector_store %arg10[%swap3A_232, %swap3A_233], %swap3A_236 {strides = array<i32>} : memref<512x128xf32, #tpu.memory_space<vmem>>, vector<1x16xf32>,
      %get3A_237 = arith.index_cast %scan3A_131 : i32 to index
      %get3A_238 = arith.constant 112 : index
      %get3A_239 = tpu.vector_load %arg10[%get3A_237, %get3A_238] {strides = array<i32>} : memref<512x128xf32, #tpu.memory_space<vmem>>, vector<1x16xf32>,
      %get3A_240 = vector.shape_cast %get3A_239 : vector<1x16xf32> to vector<16xf32>
      %get3A_241 = arith.constant 0 : i32
      %get3A_242 = arith.index_cast %get3A_241 : i32 to index
      %get3A_243 = arith.constant 112 : index
      %get3A_244 = tpu.vector_load %arg11[%get3A_242, %get3A_243] {strides = array<i32>} : memref<2x128xf32, #tpu.memory_space<vmem>>, vector<1x16xf32>,
      %get3A_245 = vector.shape_cast %get3A_244 : vector<1x16xf32> to vector<16xf32>
      %add3A_246 = arith.addf %get3A_240, %get3A_245 : vector<16xf32>
      %swap3A_247 = arith.index_cast %scan3A_131 : i32 to index
      %swap3A_248 = arith.constant 112 : index
      %swap3A_249 = tpu.vector_load %arg10[%swap3A_247, %swap3A_248] {strides = array<i32>} : memref<512x128xf32, #tpu.memory_space<vmem>>, vector<1x16xf32>,
      %swap3A_250 = vector.shape_cast %swap3A_249 : vector<1x16xf32> to vector<16xf32>
      %swap3A_251 = vector.shape_cast %add3A_246 : vector<16xf32> to vector<1x16xf32>
      tpu.vector_store %arg10[%swap3A_247, %swap3A_248], %swap3A_251 {strides = array<i32>} : memref<512x128xf32, #tpu.memory_space<vmem>>, vector<1x16xf32>,
    }
    %scan3A_124 = arith.constant 512 : i32
    %scan3A_125 = arith.constant 0 : i32
    %scan3A_126 = arith.constant 0 : i32
    %scan3A_127 = arith.constant 128 : i32
    %scan3A_128 = arith.addi %scan3A_126, %scan3A_127 : i32
    %scan3A_129 = arith.constant 1 : i32
    scf.for %scan3A_131 = %scan3A_126 to %scan3A_128 step %scan3A_129  : i32 {
      %mul3A_132 = arith.constant 128 : i32
      %mul3A_133 = arith.muli %scan3A_131, %mul3A_132 : i32
      %add3A_134 = arith.addi %mul3A_2, %mul3A_133 : i32
      %rem3A = arith.constant 4 : i32
      %rem3A_135 = arith.remsi %scan3A_131, %rem3A : i32
      %mul3A_136 = arith.constant 128 : i32
      %mul3A_137 = arith.muli %rem3A_135, %mul3A_136 : i32
      "tpu.region"() ({
        %run_scoped3A = tpu.sem_alloc : memref<!tpu.dma_semaphore, #tpu.memory_space<semaphore_mem>>
        %dma_start3A_148 = tpu.memref_slice %arg2[%add3A_134] : memref<524288xi32, #tpu.memory_space<hbm>> -> memref<128xi32, #tpu.memory_space<hbm>>
        %dma_start3A_149 = tpu.memref_slice %arg2[%add3A_134] : memref<524288xi32, #tpu.memory_space<hbm>> -> memref<128xi32, #tpu.memory_space<hbm>>
        tpu.enqueue_dma source(%dma_start3A_149 : memref<128xi32, #tpu.memory_space<hbm>>) target(%arg15 : memref<128xi32, #tpu.memory_space<vmem>>) target_semaphore(%run_scoped3A : memref<!tpu.dma_semaphore, #tpu.memory_space<semaphore_mem>>)
        %dma_wait3A_150 = tpu.memref_slice %arg2[%add3A_134] : memref<524288xi32, #tpu.memory_space<hbm>> -> memref<128xi32, #tpu.memory_space<hbm>>
        %dma_wait3A_151 = tpu.memref_slice %arg2[%add3A_134] : memref<524288xi32, #tpu.memory_space<hbm>> -> memref<128xi32, #tpu.memory_space<hbm>>
        tpu.wait_dma2 semaphore(%run_scoped3A : memref<!tpu.dma_semaphore, #tpu.memory_space<semaphore_mem>>) src(%dma_wait3A_151 : memref<128xi32, #tpu.memory_space<hbm>>) dst(%arg15 : memref<128xi32, #tpu.memory_space<vmem>>)
        tpu.yield
      }) : () -> ()
      "tpu.region"() ({
        %run_scoped3A = tpu.sem_alloc : memref<!tpu.dma_semaphore, #tpu.memory_space<semaphore_mem>>
        %dma_start3A_148 = arith.constant 0 : i32
        %dma_start3A_149 = tpu.memref_slice %arg16[%dma_start3A_148] : memref<144xi32, #tpu.memory_space<vmem>> -> memref<128xi32, #tpu.memory_space<vmem>>
        %dma_start3A_150 = tpu.memref_slice %arg3[%add3A_134] : memref<524288xi32, #tpu.memory_space<hbm>> -> memref<128xi32, #tpu.memory_space<hbm>>
        %dma_start3A_151 = arith.constant 0 : i32
        %dma_start3A_152 = tpu.memref_slice %arg16[%dma_start3A_151] : memref<144xi32, #tpu.memory_space<vmem>> -> memref<128xi32, #tpu.memory_space<vmem>>
        %dma_start3A_153 = tpu.memref_slice %arg3[%add3A_134] : memref<524288xi32, #tpu.memory_space<hbm>> -> memref<128xi32, #tpu.memory_space<hbm>>
        tpu.enqueue_dma source(%dma_start3A_153 : memref<128xi32, #tpu.memory_space<hbm>>) target(%dma_start3A_152 : memref<128xi32, #tpu.memory_space<vmem>>) target_semaphore(%run_scoped3A : memref<!tpu.dma_semaphore, #tpu.memory_space<semaphore_mem>>)
        %dma_wait3A_154 = arith.constant 0 : i32
        %dma_wait3A_155 = tpu.memref_slice %arg16[%dma_wait3A_154] : memref<144xi32, #tpu.memory_space<vmem>> -> memref<128xi32, #tpu.memory_space<vmem>>
        %dma_wait3A_156 = tpu.memref_slice %arg3[%add3A_134] : memref<524288xi32, #tpu.memory_space<hbm>> -> memref<128xi32, #tpu.memory_space<hbm>>
        %dma_wait3A_157 = arith.constant 0 : i32
        %dma_wait3A_158 = tpu.memref_slice %arg16[%dma_wait3A_157] : memref<144xi32, #tpu.memory_space<vmem>> -> memref<128xi32, #tpu.memory_space<vmem>>
        %dma_wait3A_159 = tpu.memref_slice %arg3[%add3A_134] : memref<524288xi32, #tpu.memory_space<hbm>> -> memref<128xi32, #tpu.memory_space<hbm>>
        tpu.wait_dma2 semaphore(%run_scoped3A : memref<!tpu.dma_semaphore, #tpu.memory_space<semaphore_mem>>) src(%dma_wait3A_159 : memref<128xi32, #tpu.memory_space<hbm>>) dst(%dma_wait3A_158 : memref<128xi32, #tpu.memory_space<vmem>>)
        tpu.yield
      }) : () -> ()
      %dma_start3A = arith.constant 0 : i32
      %dma_start3A_138 = arith.constant 0 : i32
      %dma_start3A_139 = tpu.memref_slice %arg4[%dma_start3A, %dma_start3A_138] : memref<100000x128xf32, #tpu.memory_space<hbm>> -> memref<100000x128xf32, #tpu.memory_space<hbm>>
      tpu.enqueue_indirect_dma source(%dma_start3A_139 : memref<100000x128xf32, #tpu.memory_space<hbm>>) target(%arg17 : memref<128x128xf32, #tpu.memory_space<vmem>>) offsets(%arg15 : memref<128xi32, #tpu.memory_space<vmem>>) semaphore(%arg18 : memref<!tpu.dma_semaphore, #tpu.memory_space<semaphore_mem>>)
      %dma_wait3A = arith.constant 0 : i32
      %dma_wait3A_140 = arith.constant 0 : i32
      %dma_wait3A_141 = tpu.memref_slice %arg4[%dma_wait3A, %dma_wait3A_140] : memref<100000x128xf32, #tpu.memory_space<hbm>> -> memref<100000x128xf32, #tpu.memory_space<hbm>>
      tpu.wait_indirect_dma semaphore(%arg18 : memref<!tpu.dma_semaphore, #tpu.memory_space<semaphore_mem>>) src(%dma_wait3A_141 : memref<100000x128xf32, #tpu.memory_space<hbm>>) dst(%arg17 : memref<128x128xf32, #tpu.memory_space<vmem>>)
      %scan3A_142 = arith.constant 0 : i32
      %scan3A_143 = arith.constant 0 : i32
      %scan3A_144 = arith.constant 128 : i32
      %scan3A_145 = arith.addi %scan3A_143, %scan3A_144 : i32
      %scan3A_146 = arith.constant 1 : i32
      scf.for %scan3A_148 = %scan3A_143 to %scan3A_145 step %scan3A_146  : i32 {
        %add3A_149 = arith.addi %mul3A_137, %scan3A_148 : i32
        %get3A_150 = arith.index_cast %scan3A_148 : i32 to index
        %get3A_151 = tpu.vector_load %arg16[%get3A_150] {strides = array<i32>} : memref<144xi32, #tpu.memory_space<vmem>>, vector<16xi32>,
        %get3A_152 = vector.shape_cast %get3A_151 : vector<16xi32> to vector<16xi32>
        %broadcast_in_dim3A = arith.constant 0 : i32
        %broadcast_in_dim3A_153 = vector.broadcast %broadcast_in_dim3A : i32 to vector<16xi32>
        %broadcast_in_dim3A_154 = vector.shape_cast %broadcast_in_dim3A_153 : vector<16xi32> to vector<16x1xi32>
        %gather3A = vector.shape_cast %broadcast_in_dim3A_154 : vector<16x1xi32> to vector<16xi32>
        %gather3A_155 = tpu.dynamic_gather %get3A_152[%gather3A] in [0] : vector<16xi32>, vector<16xi32> -> vector<16xi32>
        %convert_element_type3A = arith.sitofp %gather3A_155 : vector<16xi32> to vector<16xf32>
        %broadcast_in_dim3A_156 = arith.constant 0.000000e+00 : f32
        %broadcast_in_dim3A_157 = vector.broadcast %broadcast_in_dim3A_156 : f32 to vector<16xf32>
        %broadcast_in_dim3A_158 = arith.constant 0.000000e+00 : f32
        %broadcast_in_dim3A_159 = vector.broadcast %broadcast_in_dim3A_158 : f32 to vector<16xf32>
        %get3A_160 = arith.index_cast %scan3A_148 : i32 to index
        %get3A_161 = arith.constant 0 : index
        %get3A_162 = tpu.vector_load %arg17[%get3A_160, %get3A_161] {strides = array<i32>} : memref<128x128xf32, #tpu.memory_space<vmem>>, vector<1x16xf32>,
        %get3A_163 = vector.shape_cast %get3A_162 : vector<1x16xf32> to vector<16xf32>
        %get3A_164 = arith.index_cast %add3A_149 : i32 to index
        %get3A_165 = arith.constant 0 : index
        %get3A_166 = tpu.vector_load %arg10[%get3A_164, %get3A_165] {strides = array<i32>} : memref<512x128xf32, #tpu.memory_space<vmem>>, vector<1x16xf32>,
        %get3A_167 = vector.shape_cast %get3A_166 : vector<1x16xf32> to vector<16xf32>
        %add3A_168 = arith.addf %get3A_163, %get3A_167 : vector<16xf32>
        %get3A_169 = arith.constant 0 : index
        %get3A_170 = tpu.vector_load %arg12[%get3A_169] {strides = array<i32>} : memref<128xf32, #tpu.memory_space<vmem>>, vector<16xf32>,
        %get3A_171 = vector.shape_cast %get3A_170 : vector<16xf32> to vector<16xf32>
        %mul3A_172 = arith.mulf %convert_element_type3A, %get3A_171 : vector<16xf32>
        %add3A_173 = arith.addf %add3A_168, %mul3A_172 : vector<16xf32>
        %add3A_174 = arith.addf %broadcast_in_dim3A_157, %add3A_173 : vector<16xf32>
        %mul3A_175 = arith.mulf %add3A_173, %add3A_173 : vector<16xf32>
        %add3A_176 = arith.addf %broadcast_in_dim3A_159, %mul3A_175 : vector<16xf32>
        %get3A_177 = arith.index_cast %scan3A_148 : i32 to index
        %get3A_178 = arith.constant 16 : index
        %get3A_179 = tpu.vector_load %arg17[%get3A_177, %get3A_178] {strides = array<i32>} : memref<128x128xf32, #tpu.memory_space<vmem>>, vector<1x16xf32>,
        %get3A_180 = vector.shape_cast %get3A_179 : vector<1x16xf32> to vector<16xf32>
        %get3A_181 = arith.index_cast %add3A_149 : i32 to index
        %get3A_182 = arith.constant 16 : index
        %get3A_183 = tpu.vector_load %arg10[%get3A_181, %get3A_182] {strides = array<i32>} : memref<512x128xf32, #tpu.memory_space<vmem>>, vector<1x16xf32>,
        %get3A_184 = vector.shape_cast %get3A_183 : vector<1x16xf32> to vector<16xf32>
        %add3A_185 = arith.addf %get3A_180, %get3A_184 : vector<16xf32>
        %get3A_186 = arith.constant 16 : index
        %get3A_187 = tpu.vector_load %arg12[%get3A_186] {strides = array<i32>} : memref<128xf32, #tpu.memory_space<vmem>>, vector<16xf32>,
        %get3A_188 = vector.shape_cast %get3A_187 : vector<16xf32> to vector<16xf32>
        %mul3A_189 = arith.mulf %convert_element_type3A, %get3A_188 : vector<16xf32>
        %add3A_190 = arith.addf %add3A_185, %mul3A_189 : vector<16xf32>
        %add3A_191 = arith.addf %add3A_174, %add3A_190 : vector<16xf32>
        %mul3A_192 = arith.mulf %add3A_190, %add3A_190 : vector<16xf32>
        %add3A_193 = arith.addf %add3A_176, %mul3A_192 : vector<16xf32>
        %get3A_194 = arith.index_cast %scan3A_148 : i32 to index
        %get3A_195 = arith.constant 32 : index
        %get3A_196 = tpu.vector_load %arg17[%get3A_194, %get3A_195] {strides = array<i32>} : memref<128x128xf32, #tpu.memory_space<vmem>>, vector<1x16xf32>,
        %get3A_197 = vector.shape_cast %get3A_196 : vector<1x16xf32> to vector<16xf32>
        %get3A_198 = arith.index_cast %add3A_149 : i32 to index
        %get3A_199 = arith.constant 32 : index
        %get3A_200 = tpu.vector_load %arg10[%get3A_198, %get3A_199] {strides = array<i32>} : memref<512x128xf32, #tpu.memory_space<vmem>>, vector<1x16xf32>,
        %get3A_201 = vector.shape_cast %get3A_200 : vector<1x16xf32> to vector<16xf32>
        %add3A_202 = arith.addf %get3A_197, %get3A_201 : vector<16xf32>
        %get3A_203 = arith.constant 32 : index
        %get3A_204 = tpu.vector_load %arg12[%get3A_203] {strides = array<i32>} : memref<128xf32, #tpu.memory_space<vmem>>, vector<16xf32>,
        %get3A_205 = vector.shape_cast %get3A_204 : vector<16xf32> to vector<16xf32>
        %mul3A_206 = arith.mulf %convert_element_type3A, %get3A_205 : vector<16xf32>
        %add3A_207 = arith.addf %add3A_202, %mul3A_206 : vector<16xf32>
        %add3A_208 = arith.addf %add3A_191, %add3A_207 : vector<16xf32>
        %mul3A_209 = arith.mulf %add3A_207, %add3A_207 : vector<16xf32>
        %add3A_210 = arith.addf %add3A_193, %mul3A_209 : vector<16xf32>
        %get3A_211 = arith.index_cast %scan3A_148 : i32 to index
        %get3A_212 = arith.constant 48 : index
        %get3A_213 = tpu.vector_load %arg17[%get3A_211, %get3A_212] {strides = array<i32>} : memref<128x128xf32, #tpu.memory_space<vmem>>, vector<1x16xf32>,
        %get3A_214 = vector.shape_cast %get3A_213 : vector<1x16xf32> to vector<16xf32>
        %get3A_215 = arith.index_cast %add3A_149 : i32 to index
        %get3A_216 = arith.constant 48 : index
        %get3A_217 = tpu.vector_load %arg10[%get3A_215, %get3A_216] {strides = array<i32>} : memref<512x128xf32, #tpu.memory_space<vmem>>, vector<1x16xf32>,
        %get3A_218 = vector.shape_cast %get3A_217 : vector<1x16xf32> to vector<16xf32>
        %add3A_219 = arith.addf %get3A_214, %get3A_218 : vector<16xf32>
        %get3A_220 = arith.constant 48 : index
        %get3A_221 = tpu.vector_load %arg12[%get3A_220] {strides = array<i32>} : memref<128xf32, #tpu.memory_space<vmem>>, vector<16xf32>,
        %get3A_222 = vector.shape_cast %get3A_221 : vector<16xf32> to vector<16xf32>
        %mul3A_223 = arith.mulf %convert_element_type3A, %get3A_222 : vector<16xf32>
        %add3A_224 = arith.addf %add3A_219, %mul3A_223 : vector<16xf32>
        %add3A_225 = arith.addf %add3A_208, %add3A_224 : vector<16xf32>
        %mul3A_226 = arith.mulf %add3A_224, %add3A_224 : vector<16xf32>
        %add3A_227 = arith.addf %add3A_210, %mul3A_226 : vector<16xf32>
        %get3A_228 = arith.index_cast %scan3A_148 : i32 to index
        %get3A_229 = arith.constant 64 : index
        %get3A_230 = tpu.vector_load %arg17[%get3A_228, %get3A_229] {strides = array<i32>} : memref<128x128xf32, #tpu.memory_space<vmem>>, vector<1x16xf32>,
        %get3A_231 = vector.shape_cast %get3A_230 : vector<1x16xf32> to vector<16xf32>
        %get3A_232 = arith.index_cast %add3A_149 : i32 to index
        %get3A_233 = arith.constant 64 : index
        %get3A_234 = tpu.vector_load %arg10[%get3A_232, %get3A_233] {strides = array<i32>} : memref<512x128xf32, #tpu.memory_space<vmem>>, vector<1x16xf32>,
        %get3A_235 = vector.shape_cast %get3A_234 : vector<1x16xf32> to vector<16xf32>
        %add3A_236 = arith.addf %get3A_231, %get3A_235 : vector<16xf32>
        %get3A_237 = arith.constant 64 : index
        %get3A_238 = tpu.vector_load %arg12[%get3A_237] {strides = array<i32>} : memref<128xf32, #tpu.memory_space<vmem>>, vector<16xf32>,
        %get3A_239 = vector.shape_cast %get3A_238 : vector<16xf32> to vector<16xf32>
        %mul3A_240 = arith.mulf %convert_element_type3A, %get3A_239 : vector<16xf32>
        %add3A_241 = arith.addf %add3A_236, %mul3A_240 : vector<16xf32>
        %add3A_242 = arith.addf %add3A_225, %add3A_241 : vector<16xf32>
        %mul3A_243 = arith.mulf %add3A_241, %add3A_241 : vector<16xf32>
        %add3A_244 = arith.addf %add3A_227, %mul3A_243 : vector<16xf32>
        %get3A_245 = arith.index_cast %scan3A_148 : i32 to index
        %get3A_246 = arith.constant 80 : index
        %get3A_247 = tpu.vector_load %arg17[%get3A_245, %get3A_246] {strides = array<i32>} : memref<128x128xf32, #tpu.memory_space<vmem>>, vector<1x16xf32>,
        %get3A_248 = vector.shape_cast %get3A_247 : vector<1x16xf32> to vector<16xf32>
        %get3A_249 = arith.index_cast %add3A_149 : i32 to index
        %get3A_250 = arith.constant 80 : index
        %get3A_251 = tpu.vector_load %arg10[%get3A_249, %get3A_250] {strides = array<i32>} : memref<512x128xf32, #tpu.memory_space<vmem>>, vector<1x16xf32>,
        %get3A_252 = vector.shape_cast %get3A_251 : vector<1x16xf32> to vector<16xf32>
        %add3A_253 = arith.addf %get3A_248, %get3A_252 : vector<16xf32>
        %get3A_254 = arith.constant 80 : index
        %get3A_255 = tpu.vector_load %arg12[%get3A_254] {strides = array<i32>} : memref<128xf32, #tpu.memory_space<vmem>>, vector<16xf32>,
        %get3A_256 = vector.shape_cast %get3A_255 : vector<16xf32> to vector<16xf32>
        %mul3A_257 = arith.mulf %convert_element_type3A, %get3A_256 : vector<16xf32>
        %add3A_258 = arith.addf %add3A_253, %mul3A_257 : vector<16xf32>
        %add3A_259 = arith.addf %add3A_242, %add3A_258 : vector<16xf32>
        %mul3A_260 = arith.mulf %add3A_258, %add3A_258 : vector<16xf32>
        %add3A_261 = arith.addf %add3A_244, %mul3A_260 : vector<16xf32>
        %get3A_262 = arith.index_cast %scan3A_148 : i32 to index
        %get3A_263 = arith.constant 96 : index
        %get3A_264 = tpu.vector_load %arg17[%get3A_262, %get3A_263] {strides = array<i32>} : memref<128x128xf32, #tpu.memory_space<vmem>>, vector<1x16xf32>,
        %get3A_265 = vector.shape_cast %get3A_264 : vector<1x16xf32> to vector<16xf32>
        %get3A_266 = arith.index_cast %add3A_149 : i32 to index
        %get3A_267 = arith.constant 96 : index
        %get3A_268 = tpu.vector_load %arg10[%get3A_266, %get3A_267] {strides = array<i32>} : memref<512x128xf32, #tpu.memory_space<vmem>>, vector<1x16xf32>,
        %get3A_269 = vector.shape_cast %get3A_268 : vector<1x16xf32> to vector<16xf32>
        %add3A_270 = arith.addf %get3A_265, %get3A_269 : vector<16xf32>
        %get3A_271 = arith.constant 96 : index
        %get3A_272 = tpu.vector_load %arg12[%get3A_271] {strides = array<i32>} : memref<128xf32, #tpu.memory_space<vmem>>, vector<16xf32>,
        %get3A_273 = vector.shape_cast %get3A_272 : vector<16xf32> to vector<16xf32>
        %mul3A_274 = arith.mulf %convert_element_type3A, %get3A_273 : vector<16xf32>
        %add3A_275 = arith.addf %add3A_270, %mul3A_274 : vector<16xf32>
        %add3A_276 = arith.addf %add3A_259, %add3A_275 : vector<16xf32>
        %mul3A_277 = arith.mulf %add3A_275, %add3A_275 : vector<16xf32>
        %add3A_278 = arith.addf %add3A_261, %mul3A_277 : vector<16xf32>
        %get3A_279 = arith.index_cast %scan3A_148 : i32 to index
        %get3A_280 = arith.constant 112 : index
        %get3A_281 = tpu.vector_load %arg17[%get3A_279, %get3A_280] {strides = array<i32>} : memref<128x128xf32, #tpu.memory_space<vmem>>, vector<1x16xf32>,
        %get3A_282 = vector.shape_cast %get3A_281 : vector<1x16xf32> to vector<16xf32>
        %get3A_283 = arith.index_cast %add3A_149 : i32 to index
        %get3A_284 = arith.constant 112 : index
        %get3A_285 = tpu.vector_load %arg10[%get3A_283, %get3A_284] {strides = array<i32>} : memref<512x128xf32, #tpu.memory_space<vmem>>, vector<1x16xf32>,
        %get3A_286 = vector.shape_cast %get3A_285 : vector<1x16xf32> to vector<16xf32>
        %add3A_287 = arith.addf %get3A_282, %get3A_286 : vector<16xf32>
        %get3A_288 = arith.constant 112 : index
        %get3A_289 = tpu.vector_load %arg12[%get3A_288] {strides = array<i32>} : memref<128xf32, #tpu.memory_space<vmem>>, vector<16xf32>,
        %get3A_290 = vector.shape_cast %get3A_289 : vector<16xf32> to vector<16xf32>
        %mul3A_291 = arith.mulf %convert_element_type3A, %get3A_290 : vector<16xf32>
        %add3A_292 = arith.addf %add3A_287, %mul3A_291 : vector<16xf32>
        %add3A_293 = arith.addf %add3A_276, %add3A_292 : vector<16xf32>
        %mul3A_294 = arith.mulf %add3A_292, %add3A_292 : vector<16xf32>
        %add3A_295 = arith.addf %add3A_278, %mul3A_294 : vector<16xf32>
        %iota3A = tpu.iota {dimensions = array<i32: 0>} : vector<16xi32>
        %xor3A = arith.constant 8 : i32
        %xor3A_296 = vector.broadcast %xor3A : i32 to vector<16xi32>
        %xor3A_297 = arith.xori %iota3A, %xor3A_296 : vector<16xi32>
        %broadcast_in_dim3A_298 = vector.shape_cast %xor3A_297 : vector<16xi32> to vector<16x1xi32>
        %gather3A_299 = vector.shape_cast %broadcast_in_dim3A_298 : vector<16x1xi32> to vector<16xi32>
        %gather3A_300 = tpu.dynamic_gather %add3A_293[%gather3A_299] in [0] : vector<16xf32>, vector<16xi32> -> vector<16xf32>
        %add3A_301 = arith.addf %add3A_293, %gather3A_300 : vector<16xf32>
        %xor3A_302 = arith.constant 4 : i32
        %xor3A_303 = vector.broadcast %xor3A_302 : i32 to vector<16xi32>
        %xor3A_304 = arith.xori %iota3A, %xor3A_303 : vector<16xi32>
        %broadcast_in_dim3A_305 = vector.shape_cast %xor3A_304 : vector<16xi32> to vector<16x1xi32>
        %gather3A_306 = vector.shape_cast %broadcast_in_dim3A_305 : vector<16x1xi32> to vector<16xi32>
        %gather3A_307 = tpu.dynamic_gather %add3A_301[%gather3A_306] in [0] : vector<16xf32>, vector<16xi32> -> vector<16xf32>
        %add3A_308 = arith.addf %add3A_301, %gather3A_307 : vector<16xf32>
        %xor3A_309 = arith.constant 2 : i32
        %xor3A_310 = vector.broadcast %xor3A_309 : i32 to vector<16xi32>
        %xor3A_311 = arith.xori %iota3A, %xor3A_310 : vector<16xi32>
        %broadcast_in_dim3A_312 = vector.shape_cast %xor3A_311 : vector<16xi32> to vector<16x1xi32>
        %gather3A_313 = vector.shape_cast %broadcast_in_dim3A_312 : vector<16x1xi32> to vector<16xi32>
        %gather3A_314 = tpu.dynamic_gather %add3A_308[%gather3A_313] in [0] : vector<16xf32>, vector<16xi32> -> vector<16xf32>
        %add3A_315 = arith.addf %add3A_308, %gather3A_314 : vector<16xf32>
        %xor3A_316 = arith.constant 1 : i32
        %xor3A_317 = vector.broadcast %xor3A_316 : i32 to vector<16xi32>
        %xor3A_318 = arith.xori %iota3A, %xor3A_317 : vector<16xi32>
        %broadcast_in_dim3A_319 = vector.shape_cast %xor3A_318 : vector<16xi32> to vector<16x1xi32>
        %gather3A_320 = vector.shape_cast %broadcast_in_dim3A_319 : vector<16x1xi32> to vector<16xi32>
        %gather3A_321 = tpu.dynamic_gather %add3A_315[%gather3A_320] in [0] : vector<16xf32>, vector<16xi32> -> vector<16xf32>
        %add3A_322 = arith.addf %add3A_315, %gather3A_321 : vector<16xf32>
        %mul3A_323 = arith.constant 7.812500e-03 : f32
        %mul3A_324 = vector.broadcast %mul3A_323 : f32 to vector<16xf32>
        %mul3A_325 = arith.mulf %add3A_322, %mul3A_324 : vector<16xf32>
        %iota3A_326 = tpu.iota {dimensions = array<i32: 0>} : vector<16xi32>
        %xor3A_327 = arith.constant 8 : i32
        %xor3A_328 = vector.broadcast %xor3A_327 : i32 to vector<16xi32>
        %xor3A_329 = arith.xori %iota3A_326, %xor3A_328 : vector<16xi32>
        %broadcast_in_dim3A_330 = vector.shape_cast %xor3A_329 : vector<16xi32> to vector<16x1xi32>
        %gather3A_331 = vector.shape_cast %broadcast_in_dim3A_330 : vector<16x1xi32> to vector<16xi32>
        %gather3A_332 = tpu.dynamic_gather %add3A_295[%gather3A_331] in [0] : vector<16xf32>, vector<16xi32> -> vector<16xf32>
        %add3A_333 = arith.addf %add3A_295, %gather3A_332 : vector<16xf32>
        %xor3A_334 = arith.constant 4 : i32
        %xor3A_335 = vector.broadcast %xor3A_334 : i32 to vector<16xi32>
        %xor3A_336 = arith.xori %iota3A_326, %xor3A_335 : vector<16xi32>
        %broadcast_in_dim3A_337 = vector.shape_cast %xor3A_336 : vector<16xi32> to vector<16x1xi32>
        %gather3A_338 = vector.shape_cast %broadcast_in_dim3A_337 : vector<16x1xi32> to vector<16xi32>
        %gather3A_339 = tpu.dynamic_gather %add3A_333[%gather3A_338] in [0] : vector<16xf32>, vector<16xi32> -> vector<16xf32>
        %add3A_340 = arith.addf %add3A_333, %gather3A_339 : vector<16xf32>
        %xor3A_341 = arith.constant 2 : i32
        %xor3A_342 = vector.broadcast %xor3A_341 : i32 to vector<16xi32>
        %xor3A_343 = arith.xori %iota3A_326, %xor3A_342 : vector<16xi32>
        %broadcast_in_dim3A_344 = vector.shape_cast %xor3A_343 : vector<16xi32> to vector<16x1xi32>
        %gather3A_345 = vector.shape_cast %broadcast_in_dim3A_344 : vector<16x1xi32> to vector<16xi32>
        %gather3A_346 = tpu.dynamic_gather %add3A_340[%gather3A_345] in [0] : vector<16xf32>, vector<16xi32> -> vector<16xf32>
        %add3A_347 = arith.addf %add3A_340, %gather3A_346 : vector<16xf32>
        %xor3A_348 = arith.constant 1 : i32
        %xor3A_349 = vector.broadcast %xor3A_348 : i32 to vector<16xi32>
        %xor3A_350 = arith.xori %iota3A_326, %xor3A_349 : vector<16xi32>
        %broadcast_in_dim3A_351 = vector.shape_cast %xor3A_350 : vector<16xi32> to vector<16x1xi32>
        %gather3A_352 = vector.shape_cast %broadcast_in_dim3A_351 : vector<16x1xi32> to vector<16xi32>
        %gather3A_353 = tpu.dynamic_gather %add3A_347[%gather3A_352] in [0] : vector<16xf32>, vector<16xi32> -> vector<16xf32>
        %add3A_354 = arith.addf %add3A_347, %gather3A_353 : vector<16xf32>
        %mul3A_355 = arith.constant 7.812500e-03 : f32
        %mul3A_356 = vector.broadcast %mul3A_355 : f32 to vector<16xf32>
        %mul3A_357 = arith.mulf %add3A_354, %mul3A_356 : vector<16xf32>
        %mul3A_358 = arith.mulf %mul3A_325, %mul3A_325 : vector<16xf32>
        %sub3A_359 = arith.subf %mul3A_357, %mul3A_358 : vector<16xf32>
        %add3A_360 = arith.constant 9.99999996E-13 : f32
        %add3A_361 = vector.broadcast %add3A_360 : f32 to vector<16xf32>
        %add3A_362 = arith.addf %sub3A_359, %add3A_361 : vector<16xf32>
        %bitcast_convert_type3A = tpu.bitcast %add3A_362 : vector<16xf32> -> vector<16xi32>
        %shift_right_arithmetic3A = arith.constant 1 : i32
        %shift_right_arithmetic3A_363 = vector.broadcast %shift_right_arithmetic3A : i32 to vector<16xi32>
        %shift_right_arithmetic3A_364 = arith.shrsi %bitcast_convert_type3A, %shift_right_arithmetic3A_363 : vector<16xi32>
        %sub3A_365 = arith.constant 1597463007 : i32
        %sub3A_366 = vector.broadcast %sub3A_365 : i32 to vector<16xi32>
        %sub3A_367 = arith.subi %sub3A_366, %shift_right_arithmetic3A_364 : vector<16xi32>
        %bitcast_convert_type3A_368 = tpu.bitcast %sub3A_367 : vector<16xi32> -> vector<16xf32>
        %mul3A_369 = arith.constant 5.000000e-01 : f32
        %mul3A_370 = vector.broadcast %mul3A_369 : f32 to vector<16xf32>
        %mul3A_371 = arith.mulf %mul3A_370, %add3A_362 : vector<16xf32>
        %mul3A_372 = arith.mulf %mul3A_371, %bitcast_convert_type3A_368 : vector<16xf32>
        %mul3A_373 = arith.mulf %mul3A_372, %bitcast_convert_type3A_368 : vector<16xf32>
        %sub3A_374 = arith.constant 1.500000e+00 : f32
        %sub3A_375 = vector.broadcast %sub3A_374 : f32 to vector<16xf32>
        %sub3A_376 = arith.subf %sub3A_375, %mul3A_373 : vector<16xf32>
        %mul3A_377 = arith.mulf %bitcast_convert_type3A_368, %sub3A_376 : vector<16xf32>
        %mul3A_378 = arith.constant 5.000000e-01 : f32
        %mul3A_379 = vector.broadcast %mul3A_378 : f32 to vector<16xf32>
        %mul3A_380 = arith.mulf %mul3A_379, %add3A_362 : vector<16xf32>
        %mul3A_381 = arith.mulf %mul3A_380, %mul3A_377 : vector<16xf32>
        %mul3A_382 = arith.mulf %mul3A_381, %mul3A_377 : vector<16xf32>
        %sub3A_383 = arith.constant 1.500000e+00 : f32
        %sub3A_384 = vector.broadcast %sub3A_383 : f32 to vector<16xf32>
        %sub3A_385 = arith.subf %sub3A_384, %mul3A_382 : vector<16xf32>
        %mul3A_386 = arith.mulf %mul3A_377, %sub3A_385 : vector<16xf32>
        %mul3A_387 = arith.constant 5.000000e-01 : f32
        %mul3A_388 = vector.broadcast %mul3A_387 : f32 to vector<16xf32>
        %mul3A_389 = arith.mulf %mul3A_388, %add3A_362 : vector<16xf32>
        %mul3A_390 = arith.mulf %mul3A_389, %mul3A_386 : vector<16xf32>
        %mul3A_391 = arith.mulf %mul3A_390, %mul3A_386 : vector<16xf32>
        %sub3A_392 = arith.constant 1.500000e+00 : f32
        %sub3A_393 = vector.broadcast %sub3A_392 : f32 to vector<16xf32>
        %sub3A_394 = arith.subf %sub3A_393, %mul3A_391 : vector<16xf32>
        %mul3A_395 = arith.mulf %mul3A_386, %sub3A_394 : vector<16xf32>
        %sub3A_396 = arith.subf %add3A_173, %mul3A_325 : vector<16xf32>
        %mul3A_397 = arith.mulf %sub3A_396, %mul3A_395 : vector<16xf32>
        %get3A_398 = arith.constant 0 : index
        %get3A_399 = tpu.vector_load %arg13[%get3A_398] {strides = array<i32>} : memref<128xf32, #tpu.memory_space<vmem>>, vector<16xf32>,
        %get3A_400 = vector.shape_cast %get3A_399 : vector<16xf32> to vector<16xf32>
        %mul3A_401 = arith.mulf %mul3A_397, %get3A_400 : vector<16xf32>
        %get3A_402 = arith.constant 0 : index
        %get3A_403 = tpu.vector_load %arg14[%get3A_402] {strides = array<i32>} : memref<128xf32, #tpu.memory_space<vmem>>, vector<16xf32>,
        %get3A_404 = vector.shape_cast %get3A_403 : vector<16xf32> to vector<16xf32>
        %add3A_405 = arith.addf %mul3A_401, %get3A_404 : vector<16xf32>
        %swap3A_406 = arith.index_cast %scan3A_148 : i32 to index
        %swap3A_407 = arith.constant 0 : index
        %swap3A_408 = tpu.vector_load %arg17[%swap3A_406, %swap3A_407] {strides = array<i32>} : memref<128x128xf32, #tpu.memory_space<vmem>>, vector<1x16xf32>,
        %swap3A_409 = vector.shape_cast %swap3A_408 : vector<1x16xf32> to vector<16xf32>
        %swap3A_410 = vector.shape_cast %add3A_405 : vector<16xf32> to vector<1x16xf32>
        tpu.vector_store %arg17[%swap3A_406, %swap3A_407], %swap3A_410 {strides = array<i32>} : memref<128x128xf32, #tpu.memory_space<vmem>>, vector<1x16xf32>,
        %sub3A_411 = arith.subf %add3A_190, %mul3A_325 : vector<16xf32>
        %mul3A_412 = arith.mulf %sub3A_411, %mul3A_395 : vector<16xf32>
        %get3A_413 = arith.constant 16 : index
        %get3A_414 = tpu.vector_load %arg13[%get3A_413] {strides = array<i32>} : memref<128xf32, #tpu.memory_space<vmem>>, vector<16xf32>,
        %get3A_415 = vector.shape_cast %get3A_414 : vector<16xf32> to vector<16xf32>
        %mul3A_416 = arith.mulf %mul3A_412, %get3A_415 : vector<16xf32>
        %get3A_417 = arith.constant 16 : index
        %get3A_418 = tpu.vector_load %arg14[%get3A_417] {strides = array<i32>} : memref<128xf32, #tpu.memory_space<vmem>>, vector<16xf32>,
        %get3A_419 = vector.shape_cast %get3A_418 : vector<16xf32> to vector<16xf32>
        %add3A_420 = arith.addf %mul3A_416, %get3A_419 : vector<16xf32>
        %swap3A_421 = arith.index_cast %scan3A_148 : i32 to index
        %swap3A_422 = arith.constant 16 : index
        %swap3A_423 = tpu.vector_load %arg17[%swap3A_421, %swap3A_422] {strides = array<i32>} : memref<128x128xf32, #tpu.memory_space<vmem>>, vector<1x16xf32>,
        %swap3A_424 = vector.shape_cast %swap3A_423 : vector<1x16xf32> to vector<16xf32>
        %swap3A_425 = vector.shape_cast %add3A_420 : vector<16xf32> to vector<1x16xf32>
        tpu.vector_store %arg17[%swap3A_421, %swap3A_422], %swap3A_425 {strides = array<i32>} : memref<128x128xf32, #tpu.memory_space<vmem>>, vector<1x16xf32>,
        %sub3A_426 = arith.subf %add3A_207, %mul3A_325 : vector<16xf32>
        %mul3A_427 = arith.mulf %sub3A_426, %mul3A_395 : vector<16xf32>
        %get3A_428 = arith.constant 32 : index
        %get3A_429 = tpu.vector_load %arg13[%get3A_428] {strides = array<i32>} : memref<128xf32, #tpu.memory_space<vmem>>, vector<16xf32>,
        %get3A_430 = vector.shape_cast %get3A_429 : vector<16xf32> to vector<16xf32>
        %mul3A_431 = arith.mulf %mul3A_427, %get3A_430 : vector<16xf32>
        %get3A_432 = arith.constant 32 : index
        %get3A_433 = tpu.vector_load %arg14[%get3A_432] {strides = array<i32>} : memref<128xf32, #tpu.memory_space<vmem>>, vector<16xf32>,
        %get3A_434 = vector.shape_cast %get3A_433 : vector<16xf32> to vector<16xf32>
        %add3A_435 = arith.addf %mul3A_431, %get3A_434 : vector<16xf32>
        %swap3A_436 = arith.index_cast %scan3A_148 : i32 to index
        %swap3A_437 = arith.constant 32 : index
        %swap3A_438 = tpu.vector_load %arg17[%swap3A_436, %swap3A_437] {strides = array<i32>} : memref<128x128xf32, #tpu.memory_space<vmem>>, vector<1x16xf32>,
        %swap3A_439 = vector.shape_cast %swap3A_438 : vector<1x16xf32> to vector<16xf32>
        %swap3A_440 = vector.shape_cast %add3A_435 : vector<16xf32> to vector<1x16xf32>
        tpu.vector_store %arg17[%swap3A_436, %swap3A_437], %swap3A_440 {strides = array<i32>} : memref<128x128xf32, #tpu.memory_space<vmem>>, vector<1x16xf32>,
        %sub3A_441 = arith.subf %add3A_224, %mul3A_325 : vector<16xf32>
        %mul3A_442 = arith.mulf %sub3A_441, %mul3A_395 : vector<16xf32>
        %get3A_443 = arith.constant 48 : index
        %get3A_444 = tpu.vector_load %arg13[%get3A_443] {strides = array<i32>} : memref<128xf32, #tpu.memory_space<vmem>>, vector<16xf32>,
        %get3A_445 = vector.shape_cast %get3A_444 : vector<16xf32> to vector<16xf32>
        %mul3A_446 = arith.mulf %mul3A_442, %get3A_445 : vector<16xf32>
        %get3A_447 = arith.constant 48 : index
        %get3A_448 = tpu.vector_load %arg14[%get3A_447] {strides = array<i32>} : memref<128xf32, #tpu.memory_space<vmem>>, vector<16xf32>,
        %get3A_449 = vector.shape_cast %get3A_448 : vector<16xf32> to vector<16xf32>
        %add3A_450 = arith.addf %mul3A_446, %get3A_449 : vector<16xf32>
        %swap3A_451 = arith.index_cast %scan3A_148 : i32 to index
        %swap3A_452 = arith.constant 48 : index
        %swap3A_453 = tpu.vector_load %arg17[%swap3A_451, %swap3A_452] {strides = array<i32>} : memref<128x128xf32, #tpu.memory_space<vmem>>, vector<1x16xf32>,
        %swap3A_454 = vector.shape_cast %swap3A_453 : vector<1x16xf32> to vector<16xf32>
        %swap3A_455 = vector.shape_cast %add3A_450 : vector<16xf32> to vector<1x16xf32>
        tpu.vector_store %arg17[%swap3A_451, %swap3A_452], %swap3A_455 {strides = array<i32>} : memref<128x128xf32, #tpu.memory_space<vmem>>, vector<1x16xf32>,
        %sub3A_456 = arith.subf %add3A_241, %mul3A_325 : vector<16xf32>
        %mul3A_457 = arith.mulf %sub3A_456, %mul3A_395 : vector<16xf32>
        %get3A_458 = arith.constant 64 : index
        %get3A_459 = tpu.vector_load %arg13[%get3A_458] {strides = array<i32>} : memref<128xf32, #tpu.memory_space<vmem>>, vector<16xf32>,
        %get3A_460 = vector.shape_cast %get3A_459 : vector<16xf32> to vector<16xf32>
        %mul3A_461 = arith.mulf %mul3A_457, %get3A_460 : vector<16xf32>
        %get3A_462 = arith.constant 64 : index
        %get3A_463 = tpu.vector_load %arg14[%get3A_462] {strides = array<i32>} : memref<128xf32, #tpu.memory_space<vmem>>, vector<16xf32>,
        %get3A_464 = vector.shape_cast %get3A_463 : vector<16xf32> to vector<16xf32>
        %add3A_465 = arith.addf %mul3A_461, %get3A_464 : vector<16xf32>
        %swap3A_466 = arith.index_cast %scan3A_148 : i32 to index
        %swap3A_467 = arith.constant 64 : index
        %swap3A_468 = tpu.vector_load %arg17[%swap3A_466, %swap3A_467] {strides = array<i32>} : memref<128x128xf32, #tpu.memory_space<vmem>>, vector<1x16xf32>,
        %swap3A_469 = vector.shape_cast %swap3A_468 : vector<1x16xf32> to vector<16xf32>
        %swap3A_470 = vector.shape_cast %add3A_465 : vector<16xf32> to vector<1x16xf32>
        tpu.vector_store %arg17[%swap3A_466, %swap3A_467], %swap3A_470 {strides = array<i32>} : memref<128x128xf32, #tpu.memory_space<vmem>>, vector<1x16xf32>,
        %sub3A_471 = arith.subf %add3A_258, %mul3A_325 : vector<16xf32>
        %mul3A_472 = arith.mulf %sub3A_471, %mul3A_395 : vector<16xf32>
        %get3A_473 = arith.constant 80 : index
        %get3A_474 = tpu.vector_load %arg13[%get3A_473] {strides = array<i32>} : memref<128xf32, #tpu.memory_space<vmem>>, vector<16xf32>,
        %get3A_475 = vector.shape_cast %get3A_474 : vector<16xf32> to vector<16xf32>
        %mul3A_476 = arith.mulf %mul3A_472, %get3A_475 : vector<16xf32>
        %get3A_477 = arith.constant 80 : index
        %get3A_478 = tpu.vector_load %arg14[%get3A_477] {strides = array<i32>} : memref<128xf32, #tpu.memory_space<vmem>>, vector<16xf32>,
        %get3A_479 = vector.shape_cast %get3A_478 : vector<16xf32> to vector<16xf32>
        %add3A_480 = arith.addf %mul3A_476, %get3A_479 : vector<16xf32>
        %swap3A_481 = arith.index_cast %scan3A_148 : i32 to index
        %swap3A_482 = arith.constant 80 : index
        %swap3A_483 = tpu.vector_load %arg17[%swap3A_481, %swap3A_482] {strides = array<i32>} : memref<128x128xf32, #tpu.memory_space<vmem>>, vector<1x16xf32>,
        %swap3A_484 = vector.shape_cast %swap3A_483 : vector<1x16xf32> to vector<16xf32>
        %swap3A_485 = vector.shape_cast %add3A_480 : vector<16xf32> to vector<1x16xf32>
        tpu.vector_store %arg17[%swap3A_481, %swap3A_482], %swap3A_485 {strides = array<i32>} : memref<128x128xf32, #tpu.memory_space<vmem>>, vector<1x16xf32>,
        %sub3A_486 = arith.subf %add3A_275, %mul3A_325 : vector<16xf32>
        %mul3A_487 = arith.mulf %sub3A_486, %mul3A_395 : vector<16xf32>
        %get3A_488 = arith.constant 96 : index
        %get3A_489 = tpu.vector_load %arg13[%get3A_488] {strides = array<i32>} : memref<128xf32, #tpu.memory_space<vmem>>, vector<16xf32>,
        %get3A_490 = vector.shape_cast %get3A_489 : vector<16xf32> to vector<16xf32>
        %mul3A_491 = arith.mulf %mul3A_487, %get3A_490 : vector<16xf32>
        %get3A_492 = arith.constant 96 : index
        %get3A_493 = tpu.vector_load %arg14[%get3A_492] {strides = array<i32>} : memref<128xf32, #tpu.memory_space<vmem>>, vector<16xf32>,
        %get3A_494 = vector.shape_cast %get3A_493 : vector<16xf32> to vector<16xf32>
        %add3A_495 = arith.addf %mul3A_491, %get3A_494 : vector<16xf32>
        %swap3A_496 = arith.index_cast %scan3A_148 : i32 to index
        %swap3A_497 = arith.constant 96 : index
        %swap3A_498 = tpu.vector_load %arg17[%swap3A_496, %swap3A_497] {strides = array<i32>} : memref<128x128xf32, #tpu.memory_space<vmem>>, vector<1x16xf32>,
        %swap3A_499 = vector.shape_cast %swap3A_498 : vector<1x16xf32> to vector<16xf32>
        %swap3A_500 = vector.shape_cast %add3A_495 : vector<16xf32> to vector<1x16xf32>
        tpu.vector_store %arg17[%swap3A_496, %swap3A_497], %swap3A_500 {strides = array<i32>} : memref<128x128xf32, #tpu.memory_space<vmem>>, vector<1x16xf32>,
        %sub3A_501 = arith.subf %add3A_292, %mul3A_325 : vector<16xf32>
        %mul3A_502 = arith.mulf %sub3A_501, %mul3A_395 : vector<16xf32>
        %get3A_503 = arith.constant 112 : index
        %get3A_504 = tpu.vector_load %arg13[%get3A_503] {strides = array<i32>} : memref<128xf32, #tpu.memory_space<vmem>>, vector<16xf32>,
        %get3A_505 = vector.shape_cast %get3A_504 : vector<16xf32> to vector<16xf32>
        %mul3A_506 = arith.mulf %mul3A_502, %get3A_505 : vector<16xf32>
        %get3A_507 = arith.constant 112 : index
        %get3A_508 = tpu.vector_load %arg14[%get3A_507] {strides = array<i32>} : memref<128xf32, #tpu.memory_space<vmem>>, vector<16xf32>,
        %get3A_509 = vector.shape_cast %get3A_508 : vector<16xf32> to vector<16xf32>
        %add3A_510 = arith.addf %mul3A_506, %get3A_509 : vector<16xf32>
        %swap3A_511 = arith.index_cast %scan3A_148 : i32 to index
        %swap3A_512 = arith.constant 112 : index
        %swap3A_513 = tpu.vector_load %arg17[%swap3A_511, %swap3A_512] {strides = array<i32>} : memref<128x128xf32, #tpu.memory_space<vmem>>, vector<1x16xf32>,
        %swap3A_514 = vector.shape_cast %swap3A_513 : vector<1x16xf32> to vector<16xf32>
        %swap3A_515 = vector.shape_cast %add3A_510 : vector<16xf32> to vector<1x16xf32>
        tpu.vector_store %arg17[%swap3A_511, %swap3A_512], %swap3A_515 {strides = array<i32>} : memref<128x128xf32, #tpu.memory_space<vmem>>, vector<1x16xf32>,
      }
      %scan3A_147 = arith.constant 128 : i32
      "tpu.region"() ({
        %run_scoped3A = tpu.sem_alloc : memref<!tpu.dma_semaphore, #tpu.memory_space<semaphore_mem>>
        %dma_start3A_148 = arith.constant 0 : i32
        %dma_start3A_149 = tpu.memref_slice %arg9[%add3A_134, %dma_start3A_148] : memref<524288x128xf32, #tpu.memory_space<hbm>> -> memref<128x128xf32, #tpu.memory_space<hbm>>
        %dma_start3A_150 = arith.constant 0 : i32
        %dma_start3A_151 = tpu.memref_slice %arg9[%add3A_134, %dma_start3A_150] : memref<524288x128xf32, #tpu.memory_space<hbm>> -> memref<128x128xf32, #tpu.memory_space<hbm>>
        tpu.enqueue_dma source(%arg17 : memref<128x128xf32, #tpu.memory_space<vmem>>) target(%dma_start3A_151 : memref<128x128xf32, #tpu.memory_space<hbm>>) target_semaphore(%run_scoped3A : memref<!tpu.dma_semaphore, #tpu.memory_space<semaphore_mem>>)
        %dma_wait3A_152 = arith.constant 0 : i32
        %dma_wait3A_153 = tpu.memref_slice %arg9[%add3A_134, %dma_wait3A_152] : memref<524288x128xf32, #tpu.memory_space<hbm>> -> memref<128x128xf32, #tpu.memory_space<hbm>>
        %dma_wait3A_154 = arith.constant 0 : i32
        %dma_wait3A_155 = tpu.memref_slice %arg9[%add3A_134, %dma_wait3A_154] : memref<524288x128xf32, #tpu.memory_space<hbm>> -> memref<128x128xf32, #tpu.memory_space<hbm>>
        tpu.wait_dma2 semaphore(%run_scoped3A : memref<!tpu.dma_semaphore, #tpu.memory_space<semaphore_mem>>) src(%arg17 : memref<128x128xf32, #tpu.memory_space<vmem>>) dst(%dma_wait3A_155 : memref<128x128xf32, #tpu.memory_space<hbm>>)
        tpu.yield
      }) : () -> ()
    }
    %scan3A_130 = arith.constant 128 : i32
    return
  }
}

</mosaic_0001>

<sc_bundles>
// kernel: kernel.3.cloned.1.call-start
scs
__scs_entry_jumppad:
0x0: {  	(pc) =	sbr.rel $0x88, $3  }
0x1: {  	(tag) =	ssettag $0x0;
	lr =	simm.s32 $0x1  }
0x2: {  	[smem:$0x3F9A] =	sst lr;
	_ =	strace $0xD0000000  }
0x3: {  	_ = 	snop  }
0x4: {  	_ = 	snop  }
0x5: {  	_ = 	snop  }
0x6: {  	_ = 	snop  }
0x7: {  	_ = 	snop  }
__scs_overlays_trampoline_lowered:
0x8: {  	[smem:$0x3FA9] =	sst s0  }
0x9: {  	[smem:$0x3FAA] =	sst s1  }
0xa: {  	[smem:$0x3FAB] =	sst s2  }
0xb: {  	[smem:$0x3FAC] =	sst s3  }
0xc: {  	[smem:$0x3FAD] =	sst s4  }
0xd: {  	[smem:$0x3FAE] =	sst s5  }
0xe: {  	[smem:$0x3FAF] =	sst s6  }
0xf: {  	[smem:$0x3FB0] =	sst s7  }
0x10: {  	[smem:$0x3FB1] =	sst s8  }
0x11: {  	[smem:$0x3FB2] =	sst s9;
	s0 =	simm.s32 @!p0 $0x0  }
0x12: {  	s1 =	sld [smem:$0x3F98];
	s0 =	simm.s32 @p0 $0x1  }
0x13: {  	[smem:$0x3FB3] =	sst s0;
	s0 =	simm.s32 @!p1 $0x0  }
0x14: {  	s2 =	sld [smem:$0x3F97];
	s0 =	simm.s32 @p1 $0x1  }
0x15: {  	[smem:$0x3FB4] =	sst s0;
	s0 =	simm.s32 @!p2 $0x0  }
0x16: {  	s3 =	sld [smem:$0x3FDB];
	s0 =	simm.s32 @p2 $0x1  }
0x17: {  	s4 =	simm.s32 $0x1BF5;
	[smem:$0x3FB6] =	sst s0  }
0x18: {  	s0 =	sld [smem:$0x3F99];
	_ =	swait.ge [sflag:s4], $0x0  }
0x19: {  	s7 =	sld [smem:$0x3F9A]  }
0x1a: {  	s8 =	sadd.s32 $0xFFFFE003, lr  }
0x1b: {  	s9 =	sadd.s32 $0xFFFFFEF7, lr;
	s5 =	simm.s32 $0xFFFFFFFF;
	p2 =	slt.u32 s8, $0xFFFFF086  }
0x1c: {  	p1 =	slt.u32 s9, $0xF7A;
	s5 =	simm.s32 @!p2 $0x0  }
0x1d: {  	s5 =	simm.s32 @p1 $0x1;
	p0 =	seq.s32 s7, s2  }
0x1e: {  	s7 =	smul.u32 @!p0 $0xF7A, s2;
	p2 =	seq.s32 @!p0 s5, $0x0  }
0x1f: {  	s9 =	smul.u32 $0xF7A, s1;
	s8 =	simm.s32 @!p0 $0x1BF5;
	p2 =	por !p2, p0  }
0x20: {  	[sflag:s8] =	ssyncset.s32 @!p0 $0xFFFFF086;
	s6 =	sadd.s32 @!p0 s3, s7;
	s7 =	simm.s32 @!p0 $0x108  }
0x21: {  	s3 =	sadd.s32 s3, s9;
	s6 =	sadd.s32 @!p0 $0x88, s6;
	s7 =	simm.s32 @p2 $0x1082  }
0x22: {  	[simem:s7], [sflag:s8] =	dma.local @!p0 [hbm:s6], $0xF7A  }
0x23: {  	s9 =	sor.u32 $0xD0000000, s2;
	s6 =	simm.s32 $0x108;
	_ =	swait.ge @!p0 [sflag:s8], $0x0  }
0x24: {  	s3 =	sadd.s32 $0x88, s3;
	s6 =	simm.s32 @!p1 $0x1082;
	[sflag:s4] =	ssyncset.s32 $0xFFFFF086  }
0x25: {  	[simem:s6], [sflag:s4] =	dma.local [hbm:s3], $0xF7A  }
0x26: {  	[smem:$0x3F9A] =	sst s1;
	(tag) =	ssettag s2;
	_ =	strace s9  }
0x27: {  	s1 =	sld [smem:$0x3FAA]  }
0x28: {  	s2 =	sld [smem:$0x3FAB]  }
0x29: {  	s4 =	sld [smem:$0x3FAD]  }
0x2a: {  	p0 =	seq.s32 s5, $0x0;
	s5 =	sld [smem:$0x3FAE]  }
0x2b: {  	s6 =	sld [smem:$0x3FAF]  }
0x2c: {  	s7 =	sld [smem:$0x3FB0]  }
0x2d: {  	s3 =	simm.s32 $0x108;
	s8 =	sld [smem:$0x3FB1]  }
0x2e: {  	s3 =	simm.s32 @!p0 $0x1082;
	s9 =	sld [smem:$0x3FB2]  }
0x2f: {  	lr =	sadd.s32 s0, s3;
	s0 =	sld [smem:$0x3FA9]  }
0x30: {  	s3 =	sld [smem:$0x3FAC]  }
0x31: {  	[smem:$0x3FB5] =	sst s10  }
0x32: {  	s10 =	sld [smem:$0x3FB3];
	_ =	sdelay $0x3  }
0x33: {  	p0 =	seq.s32 s10, $0x1;
	s10 =	sld [smem:$0x3FB5];
	_ =	sdelay $0x3  }
0x34: {  	[smem:$0x3FB5] =	sst s10  }
0x35: {  	s10 =	sld [smem:$0x3FB4];
	_ =	sdelay $0x3  }
0x36: {  	p1 =	seq.s32 s10, $0x1;
	s10 =	sld [smem:$0x3FB5];
	_ =	sdelay $0x3  }
0x37: {  	[smem:$0x3FB5] =	sst s10  }
0x38: {  	s10 =	sld [smem:$0x3FB6]  }
0x39: {  	_ = 	snop;
	(pc) =	sbr.ind lr, $3  }
0x3a: {  	_ = 	snop  }
0x3b: {  	_ = 	snop  }
0x3c: {  	p2 =	seq.s32 s10, $0x1;
	s10 =	sld [smem:$0x3FB5]  }
0x3d: {  	_ =	shalt  }
0x3e: {  	_ =	shalt  }
0x3f: {  	_ =	shalt  }
0x40: {  	_ =	shalt  }
0x41: {  	_ =	shalt  }
0x42: {  	_ =	shalt  }
0x43: {  	_ =	shalt  }
0x44: {  	_ =	shalt  }
0x45: {  	_ =	shalt  }
0x46: {  	_ =	shalt  }
0x47: {  	_ =	shalt  }
0x48: {  	_ =	shalt  }
0x49: {  	_ =	shalt  }
0x4a: {  	_ =	shalt  }
0x4b: {  	_ =	shalt  }
0x4c: {  	_ =	shalt  }
0x4d: {  	_ =	shalt  }
0x4e: {  	_ =	shalt  }
0x4f: {  	_ =	shalt  }
0x50: {  	_ =	shalt  }
0x51: {  	_ =	shalt  }
0x52: {  	_ =	shalt  }
0x53: {  	_ =	shalt  }
0x54: {  	_ =	shalt  }
0x55: {  	_ =	shalt  }
0x56: {  	_ =	shalt  }
0x57: {  	_ =	shalt  }
0x58: {  	_ =	shalt  }
0x59: {  	_ =	shalt  }
0x5a: {  	_ =	shalt  }
0x5b: {  	_ =	shalt  }
0x5c: {  	_ =	shalt  }
0x5d: {  	_ =	shalt  }
0x5e: {  	_ =	shalt  }
0x5f: {  	_ =	shalt  }
0x60: {  	_ =	shalt  }
0x61: {  	_ =	shalt  }
0x62: {  	_ =	shalt  }
0x63: {  	_ =	shalt  }
0x64: {  	_ =	shalt  }
0x65: {  	_ =	shalt  }
0x66: {  	_ =	shalt  }
0x67: {  	_ =	shalt  }
0x68: {  	_ =	shalt  }
0x69: {  	_ =	shalt  }
0x6a: {  	_ =	shalt  }
0x6b: {  	_ =	shalt  }
0x6c: {  	_ =	shalt  }
0x6d: {  	_ =	shalt  }
0x6e: {  	_ =	shalt  }
0x6f: {  	_ =	shalt  }
0x70: {  	_ =	shalt  }
0x71: {  	_ =	shalt  }
0x72: {  	_ =	shalt  }
0x73: {  	_ =	shalt  }
0x74: {  	_ =	shalt  }
0x75: {  	_ =	shalt  }
0x76: {  	_ =	shalt  }
0x77: {  	_ =	shalt  }
0x78: {  	_ =	shalt  }
0x79: {  	_ =	shalt  }
0x7a: {  	_ =	shalt  }
0x7b: {  	_ =	shalt  }
0x7c: {  	_ =	shalt  }
0x7d: {  	_ =	shalt  }
0x7e: {  	_ =	shalt  }
0x7f: {  	_ =	shalt  }
0x80: {  	_ =	shalt  }
0x81: {  	_ =	shalt  }
0x82: {  	_ =	shalt  }
0x83: {  	_ =	shalt  }
0x84: {  	_ =	shalt  }
0x85: {  	_ =	shalt  }
0x86: {  	_ =	shalt  }
0x87: {  	_ =	shalt  }
.Lfunc_end0:
.L_simem_size_0:
called_computation_lowered:
.L_overlay_start_0:
0x88: {  	s2 =	sld [smem:$0x3FD9]  }
0x89: {  	s3 =	sld [smem:$0x3FFE];
	_ =	sdelay $0x1  }
0x8a: {  	s1 =	srdreg.scid  }
0x8b: {  	s0 =	sand.u32 $0x1, s1  }
0x8c: {  	s17 =	sshll.u32 s0, $0xA;
	s2 =	sadd.s32 s3, s2  }
0x8d: {  	s2 =	sadd.s32 s2, s17  }
0x8e: {  	[smem:$0x3FC1] =	sst s2  }
0x8f: {  	_ = 	snop  }
0x90: {  	s2 =	sld [smem:$0x3FC7]  }
0x91: {  	s18 =	sld [smem:$0x3FC6]  }
0x92: {  	s4 =	sld [smem:$0x3FC5]  }
0x93: {  	s5 =	sld [smem:$0x3FC4]  }
0x94: {  	s6 =	sld [smem:$0x3FC3]  }
0x95: {  	s7 =	sld [smem:$0x3FD0];
	(tm) =	ssettm $0x1  }
0x96: {  	s8 =	sld [smem:$0x3FFB];
	_ =	sdelay $0x3  }
0x97: {  	_ =	strace s8  }
0x98: {  	s8 =	sld [smem:$0x3FFC];
	_ =	sdelay $0x3  }
0x99: {  	_ =	strace s8  }
0x9a: {  	s8 =	sld [smem:$0x3FFD];
	_ =	sdelay $0x3  }
0x9b: {  	_ =	strace s8  }
0x9c: {  	_ =	strace $0x8FFFFFFF  }
0x9d: {  	s19 =	sld [smem:$0x3FDB];
	_ =	sdelay $0x1  }
0x9e: {  	s9 =	simm.s32 $_scs_section_size  }
0x9f: {  	s10 =	simm.s32 $_size__tile_overlayer_lowered;
	s11 =	simm.s32 $_tile_overlayer_lowered  }
0xa0: {  	s22 =	simm.s32 $0x1BFF;
	s21 =	sshll.u32 s11, $0x1;
	s8 =	sadd.s32 s9, s19  }
0xa1: {  	s12 =	simm.s32 $0x0;
	s20 =	sshll.u32 s10, $0x1;
	s10 =	sadd.s32 s21, s8  }
0xa2: {  	[timem:s12], [sflag:s22] =	dma.local [hbm:s10], s20  }
0xa3: {  	_ =	swait.ge [sflag:s22], s20  }
0xa4: {  	s9 =	ssub.s32 $0x0, s20;
	[sflag:s22] =	ssyncset.done $0x0  }
0xa5: {  	[sflag:s22] =	ssyncadd.s32 s9;
	_ =	sdelay $0x1  }
0xa6: {  	s23 =	simm.s32 $0x1B8B  }
0xa7: {  	_ =	swait.ge [sflag:s23], $0x1  }
0xa8: {  	[sflag:s23] =	ssyncset.done $0x0  }
0xa9: {  	s25 =	simm.s32 $0x1B8E;
	s24 =	sld [smem:$0x3FFE];
	[sflag:s23] =	ssyncadd.s32 $0xFFFFFFFF  }
0xaa: {  	s26 =	simm.s32 $execute0_lowered;
	[smem:$0x3FD2] =	sst s25  }
0xab: {  	s10 =	sshll.u32 s26, $0x1;
	_ =	strace $0x80000046;
	[dreg:$0x1] =	wrdreg $0xFFFFFFFF  }
0xac: {  	s28 =	simm.s32 $_size_execute0_lowered;
	s8 =	sadd.s32 s8, s10;
	[dreg:$0x0] =	wrdreg $0x0  }
0xad: {  	s10 =	sshll.u32 s28, $0x1;
	[dreg:$0x2] =	wrdreg s8  }
0xae: {  	[dreg:$0x3] =	wrdreg s10  }
0xaf: {  	[dreg:$0x4] =	wrdreg $0xC0  }
0xb0: {  	_ =	task [dreg:s12], $0x5FFFF  }
0xb1: {  	[dreg:$0x1] =	wrdreg $0xFFFFFFFF  }
0xb2: {  	[dreg:$0x0] =	wrdreg $0x60  }
0xb3: {  	[dreg:$0x2] =	wrdreg s24  }
0xb4: {  	[dreg:$0x3] =	wrdreg s2  }
0xb5: {  	[dreg:$0x4] =	wrdreg s18  }
0xb6: {  	[dreg:$0x5] =	wrdreg s4  }
0xb7: {  	[dreg:$0x6] =	wrdreg s5  }
0xb8: {  	[dreg:$0x7] =	wrdreg s6  }
0xb9: {  	[dreg:$0x8] =	wrdreg s7  }
0xba: {  	[dreg:$0x9] =	wrdreg $0x9  }
0xbb: {  	_ =	task.clear_ibuf [dreg:s12], $0xAFFFF;
	_ =	strace $0x90000046  }
0xbc: {  	s29 =	simm.s32 $0x9;
	_ =	strace $0x80000048  }
0xbd: {  	_ =	swait.ge [sflag:s29], $0x1  }
0xbe: {  	[sflag:s29] =	ssyncadd.s32 $0xFFFFFFFF  }
0xbf: {  	_ =	strace $0x90000048  }
0xc0: {  	_ =	sfence  }
0xc1: {  	s30 =	sld [smem:$0x0];
	_ =	sdelay $0x2  }
0xc2: {  	s31 =	sshll.u32 s1, $0xD;
	s1 =	sshrl.u32 s1, $0x2  }
0xc3: {  	s3 =	sand.u32 $0x4000, s31;
	s1 =	sadd.s32 s1, s30  }
0xc4: {  	s0 =	sor.u32 s3, s0;
	s1 =	sshll.u32 s1, $0x11  }
0xc5: {  	s0 =	sor.u32 s1, s0  }
0xc6: {  	s0 =	sadd.s32 $0x8F2B, s0  }
0xc7: {  	[sflag:s0] =	ssyncadd.remote.s32 $0x1  }
0xc8: {  	_ =	sfence.sel $0xFFFF  }
0xc9: {  	[dreg:$0x0] =	wrdreg $0xFFFFFFFF;
	(pc) =	sbr.abs _section_cstart, $3  }
0xca: {  	[dreg:$0x1] =	wrdreg $0xFFFFFFFF  }
0xcb: {  	_ =	task.clear_ibuf [dreg:s12], $0x2FFFF;
	_ =	strace $0x9FFFFFFF  }
0xcc: {  	(tm) =	ssettm $0x7FFFFFFF  }
0xcd: {  	_ =	shalt  }
tec
execute0_lowered:
.L_overlay_start_1:
0x0: {  	(tag) =	ssettag $0x1  }
0x1: {  	s10 =	rddreg [dreg:$0x0]  }
0x2: {  	s0 =	rddreg [dreg:$0x1]  }
0x3: {  	s1 =	rddreg [dreg:$0x2]  }
0x4: {  	v0 =	vimm.s32 $0xFEDCBA98;
	s2 =	rddreg [dreg:$0x3];
	v1 =	vimm.s32 $0x76543210  }
0x5: {  	s3 =	rddreg [dreg:$0x4];
	v2 =	vimm.s32 $0xBA98FEDC;
	v3 =	vimm.s32 $0x32107654;
	v4 =	vimm.s32 $0xDCFE98BA  }
0x6: {  	s4 =	rddreg [dreg:$0x5];
	v5 =	vimm.s32 $0x54761032;
	v6 =	vimm.s32 $0xEFCDAB89;
	v7 =	vimm.s32 $0x67452301  }
0x7: {  	s5 =	rddreg [dreg:$0x6];
	s6 =	simm.s32 $0x0;
	v0 =	vunpack.c.l.s4.s8 v0;
	v1 =	vunpack.c.l.s4.s8 v1;
	v2 =	vunpack.c.l.s4.s8 v2  }
0x8: {  	s8 =	srdreg.scid;
	s7 =	rddreg [dreg:$0x7];
	s14 =	simm.s32 $0x10000;
	v3 =	vunpack.c.l.s4.s8 v3;
	v4 =	vunpack.c.l.s4.s8 v4;
	v5 =	vunpack.c.l.s4.s8 v5  }
0x9: {  	s15 =	simm.s32 $0x10180;
	s16 =	simm.s32 $0x10200;
	s17 =	simm.s32 $0x10280;
	v6 =	vunpack.c.l.s4.s8 v6;
	v7 =	vunpack.c.l.s4.s8 v7;
	v0 =	vunpack.c.0.s8.s32 v0  }
0xa: {  	s18 =	simm.s32 $0x80;
	s19 =	simm.s32 $0x10400;
	s20 =	simm.s32 $0x1;
	v2 =	vunpack.c.0.s8.s32 v2;
	v3 =	vunpack.c.0.s8.s32 v3;
	v4 =	vunpack.c.0.s8.s32 v4  }
0xb: {  	s21 =	simm.s32 $0x0;
	[smem:$0x7FF] =	sst s6;
	s11 =	sand.u32 $0x1, s8;
	v5 =	vunpack.c.0.s8.s32 v5;
	v6 =	vunpack.c.0.s8.s32 v6;
	v7 =	vunpack.c.0.s8.s32 v7  }
0xc: {  	s9 =	sadd.s32 $0x600, s10;
	s8 =	stileid.u32;
	s12 =	ssub.s32 $0x2, s11;
	v1 =	vunpack.c.0.s8.s32 v1;
	v2 =	vcombine.low v3, v2  }
0xd: {  	s10 =	sadd.s32 $0x10600, s10;
	_ =	strace $0x80000047;
	s13 =	sshrl.u32 s12, $0x1;
	v3 =	vcombine.low v5, v4;
	v4 =	vand.u32 $0xF, v0;
	v5 =	vcombine.low v7, v6  }
0xe: {  	s31 =	sshll.u32 s8, $0xF;
	s11 =	sshll.u32 s11, $0xE;
	s12 =	ssub.s32 s12, s13;
	v0 =	vimm.s32 $0x0;
	v1 =	vcombine.low v4, v1  }
0xf: {  	s11 =	sor.u32 s11, s31;
	s13 =	simm.s32 $0x2;
	s12 =	smax.u32 s12, $0x1;
	v2 =	vand.u32 $0xF, v2;
	v3 =	vand.u32 $0xF, v3;
	v4 =	vand.u32 $0xF, v5  }
.LBB2_1:
0x10: {  	[tilespmem:s6], [sflag:$0x2] =	stream.linear.gather [hbm4b:s1+s6], $0x10000, $0x38;
	[tilespmem:$0x14400] =	vst v63  }
0x11: {  	_ =	swait.ge [sflag:s13], $0x10000  }
0x12: {  	[sflag:s13] =	ssyncset.done $0x0  }
0x13: {  	[sflag:s13] =	ssyncadd.s32 $0xFFFF0000  }
0x14: {  	[tilespmem:s14], [sflag:$0x2] =	stream.linear.gather [hbm4b:s2+s6], $0x100, $0x38;
	[tilespmem:$0x14400] =	vst v63  }
0x15: {  	_ =	swait.ge [sflag:s13], $0x100  }
0x16: {  	[sflag:s13] =	ssyncset.done $0x0  }
0x17: {  	[sflag:s13] =	ssyncadd.s32 $0xFFFFFF00  }
0x18: {  	[tilespmem:s15], [sflag:$0x2] =	stream.linear.gather [hbm4b:s3+s6], $0x80, $0x38;
	[tilespmem:$0x14400] =	vst v63  }
0x19: {  	_ =	swait.ge [sflag:s13], $0x80  }
0x1a: {  	[sflag:s13] =	ssyncset.done $0x0  }
0x1b: {  	[sflag:s13] =	ssyncadd.s32 $0xFFFFFF80  }
0x1c: {  	[tilespmem:s16], [sflag:$0x2] =	stream.linear.gather [hbm4b:s4+s6], $0x80, $0x38;
	[tilespmem:$0x14400] =	vst v63  }
0x1d: {  	_ =	swait.ge [sflag:s13], $0x80  }
0x1e: {  	[sflag:s13] =	ssyncset.done $0x0  }
0x1f: {  	[sflag:s13] =	ssyncadd.s32 $0xFFFFFF80  }
0x20: {  	v5 =	vld [tilespmem:$0x10080]  }
0x21: {  	v6 =	vld [tilespmem:$0x10000]  }
0x22: {  	v7 =	vld [tilespmem:$0x10090]  }
0x23: {  	v8 =	vld [tilespmem:$0x10010]  }
0x24: {  	v9 =	vld [tilespmem:$0x100A0]  }
0x25: {  	v10 =	vld [tilespmem:$0x10020]  }
0x26: {  	v11 =	vld [tilespmem:$0x100B0]  }
0x27: {  	v12 =	vld [tilespmem:$0x10030]  }
0x28: {  	v13 =	vld [tilespmem:$0x100C0]  }
0x29: {  	v14 =	vld [tilespmem:$0x10040]  }
0x2a: {  	v15 =	vld [tilespmem:$0x100D0]  }
0x2b: {  	v16 =	vld [tilespmem:$0x10050]  }
0x2c: {  	v17 =	vld [tilespmem:$0x100E0]  }
0x2d: {  	v62 =	vld [tilespmem:$0x100F0];
	v5 =	vsub.f32 v5, v6  }
0x2e: {  	v6 =	vld [tilespmem:$0x10060];
	v7 =	vsub.f32 v7, v8  }
0x2f: {  	v63 =	vld [tilespmem:$0x10070];
	[tilespmem:$0x10100] =	vst v5;
	v5 =	vsub.f32 v9, v10  }
0x30: {  	[tilespmem:$0x10110] =	vst v7;
	v7 =	vsub.f32 v11, v12  }
0x31: {  	[tilespmem:$0x10120] =	vst v5;
	v5 =	vsub.f32 v13, v14  }
0x32: {  	[tilespmem:$0x10130] =	vst v7;
	v7 =	vsub.f32 v15, v16  }
0x33: {  	[tilespmem:$0x10140] =	vst v5;
	v5 =	vsub.f32 v17, v6  }
0x34: {  	[tilespmem:$0x10150] =	vst v7;
	v6 =	vsub.f32 v62, v63  }
0x35: {  	[tilespmem:$0x10160] =	vst v5  }
0x36: {  	s22 =	simm.s32 $0x0;
	[tilespmem:$0x10170] =	vst v6  }
0x37: {  	s23 =	simm.s32 $0x200;
	v5 =	vld [tilespmem:s22+$0x0]  }
.LBB2_2:
0x38: {  	p0 =	sne.s32 s23, $0x3FE00;
	v6 =	vld [tilespmem:$0x10000];
	_ =	sdelay $0x4  }
0x39: {  	v5 =	vadd.f32 v6, v5;
	_ =	sdelay $0x1  }
0x3a: {  	[tilespmem:s22+$0x0] =	vst v5;
	v5 =	vld [tilespmem:s22+$0x10]  }
0x3b: {  	v6 =	vld [tilespmem:$0x10010];
	_ =	sdelay $0x4  }
0x3c: {  	v5 =	vadd.f32 v6, v5;
	_ =	sdelay $0x1  }
0x3d: {  	[tilespmem:s22+$0x10] =	vst v5;
	v5 =	vld [tilespmem:s22+$0x20]  }
0x3e: {  	v6 =	vld [tilespmem:$0x10020];
	_ =	sdelay $0x4  }
0x3f: {  	v5 =	vadd.f32 v6, v5;
	_ =	sdelay $0x1  }
0x40: {  	[tilespmem:s22+$0x20] =	vst v5;
	v5 =	vld [tilespmem:s22+$0x30]  }
0x41: {  	v6 =	vld [tilespmem:$0x10030];
	_ =	sdelay $0x4  }
0x42: {  	v5 =	vadd.f32 v6, v5;
	_ =	sdelay $0x1  }
0x43: {  	[tilespmem:s22+$0x30] =	vst v5;
	v5 =	vld [tilespmem:s22+$0x40]  }
0x44: {  	v6 =	vld [tilespmem:$0x10040];
	_ =	sdelay $0x4  }
0x45: {  	v5 =	vadd.f32 v6, v5;
	_ =	sdelay $0x1  }
0x46: {  	[tilespmem:s22+$0x40] =	vst v5;
	v5 =	vld [tilespmem:s22+$0x50]  }
0x47: {  	v6 =	vld [tilespmem:$0x10050];
	_ =	sdelay $0x4  }
0x48: {  	v5 =	vadd.f32 v6, v5;
	_ =	sdelay $0x1  }
0x49: {  	[tilespmem:s22+$0x50] =	vst v5;
	v5 =	vld [tilespmem:s22+$0x60]  }
0x4a: {  	v6 =	vld [tilespmem:$0x10060];
	_ =	sdelay $0x4  }
0x4b: {  	v5 =	vadd.f32 v6, v5;
	_ =	sdelay $0x1  }
0x4c: {  	[tilespmem:s22+$0x60] =	vst v5;
	v5 =	vld [tilespmem:s22+$0x70]  }
0x4d: {  	v6 =	vld [tilespmem:$0x10070];
	_ =	sdelay $0x2  }
.Ltmp0:
0x4e: {  	(pc) =	sbr.rel @p0 .LBB2_2-.Ltmp0, $4  }
0x4f: {  	_ = 	snop  }
0x50: {  	v6 =	vadd.f32 v6, v5  }
0x51: {  	s24 =	sshra.s32 s23, $0x2  }
0x52: {  	s23 =	sadd.s32 $0x200, s23;
	v5 =	vld [tilespmem:s24+$0x0];
	[tilespmem:s22+$0x70] =	vst v6;
	s22 =	smov.u32 s24  }
0x53: {  	v6 =	vld [tilespmem:$0x10000];
	_ =	sdelay $0x4  }
0x54: {  	v5 =	vadd.f32 v6, v5;
	_ =	sdelay $0x1  }
0x55: {  	[tilespmem:s22+$0x0] =	vst v5;
	v5 =	vld [tilespmem:s22+$0x10]  }
0x56: {  	v6 =	vld [tilespmem:$0x10010];
	_ =	sdelay $0x4  }
0x57: {  	v5 =	vadd.f32 v6, v5;
	_ =	sdelay $0x1  }
0x58: {  	[tilespmem:s22+$0x10] =	vst v5;
	v5 =	vld [tilespmem:s22+$0x20]  }
0x59: {  	v6 =	vld [tilespmem:$0x10020];
	_ =	sdelay $0x4  }
0x5a: {  	v5 =	vadd.f32 v6, v5;
	_ =	sdelay $0x1  }
0x5b: {  	[tilespmem:s22+$0x20] =	vst v5;
	v5 =	vld [tilespmem:s22+$0x30]  }
0x5c: {  	v6 =	vld [tilespmem:$0x10030];
	_ =	sdelay $0x4  }
0x5d: {  	v5 =	vadd.f32 v6, v5;
	_ =	sdelay $0x1  }
0x5e: {  	[tilespmem:s22+$0x30] =	vst v5;
	v5 =	vld [tilespmem:s22+$0x40]  }
0x5f: {  	v6 =	vld [tilespmem:$0x10040];
	_ =	sdelay $0x4  }
0x60: {  	v5 =	vadd.f32 v6, v5;
	_ =	sdelay $0x1  }
0x61: {  	[tilespmem:s22+$0x40] =	vst v5;
	v5 =	vld [tilespmem:s22+$0x50]  }
0x62: {  	v6 =	vld [tilespmem:$0x10050];
	_ =	sdelay $0x4  }
0x63: {  	v5 =	vadd.f32 v6, v5;
	_ =	sdelay $0x1  }
0x64: {  	[tilespmem:s22+$0x50] =	vst v5;
	v5 =	vld [tilespmem:s22+$0x60]  }
0x65: {  	v6 =	vld [tilespmem:$0x10060];
	_ =	sdelay $0x4  }
0x66: {  	v5 =	vadd.f32 v6, v5;
	_ =	sdelay $0x1  }
0x67: {  	[tilespmem:s22+$0x60] =	vst v5;
	v5 =	vld [tilespmem:s22+$0x70]  }
0x68: {  	v6 =	vld [tilespmem:$0x10070];
	_ =	sdelay $0x4  }
0x69: {  	v5 =	vadd.f32 v6, v5;
	_ =	sdelay $0x1  }
0x6a: {  	s23 =	simm.s32 $0x0;
	s24 =	simm.s32 $0x0;
	[tilespmem:s22+$0x70] =	vst v5;
	s22 =	simm.s32 $0x0  }
.LBB2_4:
0x6b: {  	s25 =	sshll.u32 s24, $0x7  }
0x6c: {  	s25 =	sadd.s32 s11, s25  }
0x6d: {  	s26 =	sshrl.u32 s25, $0x3  }
0x6e: {  	s28 =	sadd.s32 s9, s26  }
0x6f: {  	[tilespmem:s17], [sflag:$0x2] =	stream.linear.gather [hbm4b:s28+s22], $0x80, $0x38;
	[tilespmem:$0x14400] =	vst v63  }
0x70: {  	_ =	swait.ge [sflag:s13], $0x80  }
0x71: {  	[sflag:s13] =	ssyncset.done $0x0  }
0x72: {  	s26 =	sadd.s32 s10, s26;
	s28 =	simm.s32 $0x10300;
	[sflag:s13] =	ssyncadd.s32 $0xFFFFFF80  }
0x73: {  	[tilespmem:s28], [sflag:$0x2] =	stream.linear.gather [hbm4b:s26+s22], $0x80, $0x38;
	[tilespmem:$0x14400] =	vst v63  }
0x74: {  	_ =	swait.ge [sflag:s13], $0x80  }
0x75: {  	[sflag:s13] =	ssyncset.done $0x0  }
0x76: {  	[sflag:s13] =	ssyncadd.s32 $0xFFFFFF80  }
0x77: {  	[tilespmem:s19], [sflag:$0x1] =	stream.indirect.gather [hbm4b:s0+s18], $0x80, s17, s18, $0xb8;
	[tilespmem:$0x14400] =	vst v63  }
0x78: {  	_ =	swait.ge [sflag:s20], $0x4000  }
0x79: {  	[sflag:s20] =	ssyncset.done $0x0  }
0x7a: {  	s26 =	simm.s32 $0x0;
	[sflag:s20] =	ssyncadd.s32 $0xFFFFC000  }
0x7b: {  	v6 =	vld [tilespmem:s26+$0x10420]  }
0x7c: {  	s29 =	sand.u32 $0x3, s23;
	v7 =	vld [tilespmem:s26+$0x10400]  }
0x7d: {  	s29 =	sshll.u32 s29, $0xE;
	v8 =	vld [tilespmem:s26+$0x10430]  }
0x7e: {  	s29 =	sor.u32 $0x40, s29;
	v9 =	vld [tilespmem:s26+$0x10410]  }
0x7f: {  	v5 =	vmov s29;
	v10 =	vld [tilespmem:s26+$0x10450]  }
0x80: {  	v11 =	vld [tilespmem:$0x10110]  }
0x81: {  	v12 =	vld [tilespmem:$0x10100]  }
0x82: {  	v13 =	vld [tilespmem:s28+$0x0]  }
0x83: {  	v14 =	vld [tilespmem:$0x10120]  }
0x84: {  	v15 =	vld.idx.msk [tilespmem:v5+s26+$0xFFFFFFD0 ss:$0x1], $0xffff  }
0x85: {  	v16 =	vld.idx.msk [tilespmem:v5+s26+$0xFFFFFFC0 ss:$0x1], $0xffff  }
0x86: {  	v17 =	vld.idx.msk [tilespmem:v5+s26+$0xFFFFFFE0 ss:$0x1], $0xffff  }
0x87: {  	v18 =	vld [tilespmem:$0x10140];
	v13 =	vperm.xlane v13, v0  }
0x88: {  	v19 =	vld.idx.msk [tilespmem:v5+s26+$0xFFFFFFF0 ss:$0x1], $0xffff  }
0x89: {  	v20 =	vld [tilespmem:$0x10150];
	v13 =	vcvt.s32.f32 v13  }
0x8a: {  	v21 =	vld [tilespmem:$0x10130]  }
0x8b: {  	v33 =	vld [tilespmem:$0x10170];
	v7 =	vadd.f32 v16, v7;
	v12 =	vmul.f32 v13, v12  }
0x8c: {  	v22 =	vld.idx.msk [tilespmem:v5+s26+$0x0 ss:$0x1], $0xffff  }
0x8d: {  	v34 =	vld [tilespmem:s26+$0x10440];
	v9 =	vadd.f32 v15, v9;
	v11 =	vmul.f32 v13, v11;
	v7 =	vadd.f32 v12, v7  }
0x8e: {  	v36 =	vld.idx.msk [tilespmem:v5+s26+$0x10 ss:$0x1], $0xffff;
	v6 =	vadd.f32 v17, v6;
	v35 =	vmul.f32 v13, v14  }
0x8f: {  	v37 =	vld [tilespmem:$0x10160];
	v9 =	vadd.f32 v11, v9;
	v23 =	vadd.f32 $0.0e+00, v7  }
0x90: {  	v24 =	vld [tilespmem:s26+$0x10460];
	v8 =	vadd.f32 v19, v8;
	v38 =	vmul.f32 v13, v21;
	v11 =	vadd.f32 v35, v6  }
0x91: {  	v6 =	vld.idx.msk [tilespmem:v5+s26+$0x20 ss:$0x1], $0xffff;
	v39 =	vmul.f32 v7, v7;
	v41 =	vmul.f32 v9, v9;
	v40 =	vadd.f32 v9, v23  }
0x92: {  	v42 =	vld.idx.msk [tilespmem:v5+s26+$0x30 ss:$0x1], $0xffff;
	v15 =	vadd.f32 v22, v34;
	v18 =	vmul.f32 v13, v18;
	v8 =	vadd.f32 v38, v8  }
0x93: {  	v44 =	vld [tilespmem:s26+$0x10470];
	v43 =	vmul.f32 v11, v11;
	v19 =	vadd.f32 v41, v39;
	v21 =	vadd.f32 v11, v40  }
0x94: {  	v10 =	vadd.f32 v36, v10;
	v20 =	vmul.f32 v13, v20;
	v15 =	vadd.f32 v18, v15  }
0x95: {  	v47 =	vmul.f32 v8, v8;
	v45 =	vadd.f32 v43, v19;
	v46 =	vadd.f32 v8, v21  }
0x96: {  	v17 =	vmul.f32 v13, v37;
	v10 =	vadd.f32 v20, v10;
	v6 =	vadd.f32 v6, v24  }
0x97: {  	v48 =	vmul.f32 v15, v15;
	v14 =	vadd.f32 v47, v45;
	v18 =	vadd.f32 v15, v46  }
0x98: {  	v13 =	vmul.f32 v13, v33;
	v49 =	vadd.f32 v17, v6;
	v6 =	vadd.f32 v42, v44  }
0x99: {  	v52 =	vmul.f32 v10, v10;
	v50 =	vadd.f32 v48, v14;
	v51 =	vadd.f32 v10, v18  }
0x9a: {  	v13 =	vadd.f32 v13, v6  }
0x9b: {  	v6 =	vmul.f32 v49, v49;
	v12 =	vadd.f32 v52, v50;
	v14 =	vadd.f32 v49, v51;
	_ =	sdelay $0x1  }
0x9c: {  	v54 =	vmul.f32 v13, v13;
	v6 =	vadd.f32 v6, v12;
	v53 =	vadd.f32 v13, v14;
	_ =	sdelay $0x1  }
0x9d: {  	v6 =	vadd.f32 v54, v6;
	v55 =	vperm.xlane v53, v1;
	_ =	sdelay $0x1  }
0x9e: {  	v56 =	vperm.xlane v6, v1;
	v12 =	vadd.f32 v53, v55;
	_ =	sdelay $0x1  }
0x9f: {  	v6 =	vadd.f32 v56, v6;
	v57 =	vperm.xlane v12, v2;
	_ =	sdelay $0x1  }
0xa0: {  	v14 =	vperm.xlane v6, v2;
	v12 =	vadd.f32 v12, v57;
	_ =	sdelay $0x1  }
0xa1: {  	v6 =	vadd.f32 v14, v6;
	v17 =	vperm.xlane v12, v3;
	_ =	sdelay $0x1  }
0xa2: {  	v14 =	vperm.xlane v6, v3;
	v12 =	vadd.f32 v12, v17;
	_ =	sdelay $0x1  }
0xa3: {  	v6 =	vadd.f32 v14, v6;
	v17 =	vperm.xlane v12, v4;
	_ =	sdelay $0x1  }
0xa4: {  	v14 =	vperm.xlane v6, v4;
	v12 =	vadd.f32 v12, v17;
	_ =	sdelay $0x1  }
0xa5: {  	v6 =	vadd.f32 v14, v6;
	v12 =	vmul.f32 $7.812500000e-03, v12;
	_ =	sdelay $0x1  }
0xa6: {  	v6 =	vmul.f32 $7.812500000e-03, v6;
	v58 =	vmul.f32 v12, v12;
	_ =	sdelay $0x1  }
0xa7: {  	v6 =	vsub.f32 v6, v58;
	_ =	sdelay $0x1  }
0xa8: {  	v6 =	vadd.f32 $9.999999960e-13, v6;
	_ =	sdelay $0x1  }
0xa9: {  	v59 =	vshra.s32 v6, $0x1;
	v6 =	vmul.f32 $5.000000000e-01, v6  }
0xaa: {  	v14 =	vsub.s32 $0x5F3759DF, v59  }
0xab: {  	v60 =	vmul.f32 v14, v6;
	_ =	sdelay $0x1  }
0xac: {  	v17 =	vmul.f32 v14, v60;
	_ =	sdelay $0x1  }
0xad: {  	v17 =	vsub.f32 $1.500000000e+00, v17;
	_ =	sdelay $0x1  }
0xae: {  	v14 =	vmul.f32 v14, v17;
	_ =	sdelay $0x1  }
0xaf: {  	v17 =	vmul.f32 v14, v6;
	_ =	sdelay $0x1  }
0xb0: {  	v17 =	vmul.f32 v17, v14;
	_ =	sdelay $0x1  }
0xb1: {  	v17 =	vsub.f32 $1.500000000e+00, v17;
	_ =	sdelay $0x1  }
0xb2: {  	v14 =	vmul.f32 v17, v14;
	_ =	sdelay $0x1  }
0xb3: {  	v6 =	vmul.f32 v14, v6;
	_ =	sdelay $0x1  }
0xb4: {  	v6 =	vmul.f32 v6, v14;
	_ =	sdelay $0x1  }
0xb5: {  	v6 =	vsub.f32 $1.500000000e+00, v6  }
0xb6: {  	v61 =	vld [tilespmem:$0x10180]  }
0xb7: {  	v7 =	vsub.f32 v7, v12;
	v6 =	vmul.f32 v6, v14  }
0xb8: {  	v62 =	vld [tilespmem:$0x10200]  }
0xb9: {  	v7 =	vmul.f32 v6, v7;
	_ =	sdelay $0x1  }
0xba: {  	v7 =	vmul.f32 v7, v61;
	_ =	sdelay $0x1  }
0xbb: {  	v7 =	vadd.f32 v7, v62;
	_ =	sdelay $0x1  }
0xbc: {  	[tilespmem:s26+$0x10400] =	vst v7  }
0xbd: {  	v7 =	vld [tilespmem:$0x10190]  }
0xbe: {  	v9 =	vsub.f32 v9, v12  }
0xbf: {  	v63 =	vld [tilespmem:$0x10210]  }
0xc0: {  	v9 =	vmul.f32 v6, v9;
	_ =	sdelay $0x1  }
0xc1: {  	v7 =	vmul.f32 v9, v7;
	_ =	sdelay $0x1  }
0xc2: {  	v7 =	vadd.f32 v7, v63;
	_ =	sdelay $0x1  }
0xc3: {  	[tilespmem:s26+$0x10410] =	vst v7  }
0xc4: {  	v7 =	vld [tilespmem:$0x101A0]  }
0xc5: {  	v9 =	vsub.f32 v11, v12  }
0xc6: {  	v11 =	vld [tilespmem:$0x10220]  }
0xc7: {  	v9 =	vmul.f32 v6, v9;
	_ =	sdelay $0x1  }
0xc8: {  	v7 =	vmul.f32 v9, v7;
	_ =	sdelay $0x1  }
0xc9: {  	v7 =	vadd.f32 v7, v11;
	_ =	sdelay $0x1  }
0xca: {  	[tilespmem:s26+$0x10420] =	vst v7  }
0xcb: {  	v7 =	vld [tilespmem:$0x101B0]  }
0xcc: {  	v8 =	vsub.f32 v8, v12  }
0xcd: {  	v9 =	vld [tilespmem:$0x10230]  }
0xce: {  	v8 =	vmul.f32 v6, v8;
	_ =	sdelay $0x1  }
0xcf: {  	v7 =	vmul.f32 v8, v7;
	_ =	sdelay $0x1  }
0xd0: {  	v7 =	vadd.f32 v7, v9;
	_ =	sdelay $0x1  }
0xd1: {  	[tilespmem:s26+$0x10430] =	vst v7  }
0xd2: {  	v7 =	vld [tilespmem:$0x101C0]  }
0xd3: {  	v8 =	vsub.f32 v15, v12  }
0xd4: {  	v9 =	vld [tilespmem:$0x10240]  }
0xd5: {  	v8 =	vmul.f32 v6, v8;
	_ =	sdelay $0x1  }
0xd6: {  	v7 =	vmul.f32 v8, v7;
	_ =	sdelay $0x1  }
0xd7: {  	v7 =	vadd.f32 v7, v9;
	_ =	sdelay $0x1  }
0xd8: {  	[tilespmem:s26+$0x10440] =	vst v7  }
0xd9: {  	v7 =	vld [tilespmem:$0x101D0]  }
0xda: {  	v8 =	vsub.f32 v10, v12  }
0xdb: {  	v9 =	vld [tilespmem:$0x10250]  }
0xdc: {  	v8 =	vmul.f32 v6, v8;
	_ =	sdelay $0x1  }
0xdd: {  	v7 =	vmul.f32 v8, v7;
	_ =	sdelay $0x1  }
0xde: {  	v7 =	vadd.f32 v7, v9;
	_ =	sdelay $0x1  }
0xdf: {  	[tilespmem:s26+$0x10450] =	vst v7  }
0xe0: {  	v10 =	vld [tilespmem:$0x101E0]  }
0xe1: {  	v8 =	vsub.f32 v49, v12  }
0xe2: {  	v9 =	vld [tilespmem:$0x10260]  }
0xe3: {  	s29 =	simm.s32 $0x200;
	v8 =	vmul.f32 v6, v8;
	v7 =	vsub.f32 v13, v12  }
.LBB2_5:
0xe4: {  	p0 =	sne.s32 s29, $0xFE00  }
0xe5: {  	s28 =	sadd.s32 $0x1, s28;
	s30 =	smov.u32 s29;
	s29 =	sadd.s32 $0x200, s29;
	v8 =	vmul.f32 v8, v10  }
0xe6: {  	_ = 	snop  }
0xe7: {  	v8 =	vadd.f32 v8, v9;
	_ =	sdelay $0x1  }
0xe8: {  	[tilespmem:s26+$0x10460] =	vst v8  }
0xe9: {  	v8 =	vld [tilespmem:$0x101F0]  }
0xea: {  	s30 =	sshra.s32 s30, $0x2;
	v9 =	vld [tilespmem:$0x10270]  }
0xeb: {  	v10 =	vld [tilespmem:s30+$0x10420]  }
0xec: {  	v6 =	vmul.f32 v6, v7;
	_ =	sdelay $0x1  }
0xed: {  	v6 =	vmul.f32 v8, v6  }
0xee: {  	v7 =	vld [tilespmem:s30+$0x10400]  }
0xef: {  	v8 =	vld [tilespmem:s30+$0x10430];
	v6 =	vadd.f32 v9, v6  }
0xf0: {  	v9 =	vld [tilespmem:s30+$0x10410]  }
0xf1: {  	v11 =	vld [tilespmem:s30+$0x10450];
	[tilespmem:s26+$0x10470] =	vst v6;
	s26 =	smov.u32 s30  }
0xf2: {  	v6 =	vld [tilespmem:$0x10110]  }
0xf3: {  	v12 =	vld [tilespmem:$0x10100]  }
0xf4: {  	v13 =	vld [tilespmem:$0x10120]  }
0xf5: {  	v14 =	vld [tilespmem:s28+$0x0]  }
0xf6: {  	v15 =	vld.idx.msk [tilespmem:v5+s26+$0xFFFFFFD0 ss:$0x1], $0xffff  }
0xf7: {  	v16 =	vld.idx.msk [tilespmem:v5+s26+$0xFFFFFFC0 ss:$0x1], $0xffff  }
0xf8: {  	v17 =	vld.idx.msk [tilespmem:v5+s26+$0xFFFFFFE0 ss:$0x1], $0xffff  }
0xf9: {  	v18 =	vld [tilespmem:$0x10140]  }
0xfa: {  	v14 =	vperm.xlane v14, v0;
	v19 =	vld.idx.msk [tilespmem:v5+s26+$0xFFFFFFF0 ss:$0x1], $0xffff  }
0xfb: {  	v20 =	vld [tilespmem:$0x10150]  }
0xfc: {  	v9 =	vadd.f32 v15, v9;
	v14 =	vcvt.s32.f32 v14;
	v15 =	vld [tilespmem:$0x10130]  }
0xfd: {  	v7 =	vadd.f32 v16, v7;
	v16 =	vld [tilespmem:$0x10170]  }
0xfe: {  	v10 =	vadd.f32 v17, v10;
	v12 =	vmul.f32 v14, v12;
	v6 =	vmul.f32 v14, v6;
	v17 =	vld.idx.msk [tilespmem:v5+s26+$0x0 ss:$0x1], $0xffff  }
0xff: {  	v13 =	vmul.f32 v14, v13;
	v18 =	vmul.f32 v14, v18;
	v21 =	vld [tilespmem:s26+$0x10440]  }
0x100: {  	v8 =	vadd.f32 v19, v8;
	v7 =	vadd.f32 v12, v7;
	v12 =	vld.idx.msk [tilespmem:v5+s26+$0x10 ss:$0x1], $0xffff;
	v19 =	vmul.f32 v14, v20  }
0x101: {  	v10 =	vadd.f32 v13, v10;
	v13 =	vld [tilespmem:$0x10160]  }
0x102: {  	v6 =	vadd.f32 v6, v9;
	v20 =	vadd.f32 $0.0e+00, v7;
	v22 =	vmul.f32 v7, v7;
	v9 =	vld.idx.msk [tilespmem:v5+s26+$0x20 ss:$0x1], $0xffff  }
0x103: {  	v15 =	vmul.f32 v14, v15;
	v16 =	vmul.f32 v14, v16  }
0x104: {  	v23 =	vmul.f32 v6, v6;
	v20 =	vadd.f32 v6, v20;
	v17 =	vadd.f32 v17, v21;
	v21 =	vld [tilespmem:s26+$0x10460]  }
0x105: {  	v8 =	vadd.f32 v15, v8;
	v15 =	vld.idx.msk [tilespmem:v5+s26+$0x30 ss:$0x1], $0xffff  }
0x106: {  	v22 =	vadd.f32 v23, v22;
	v23 =	vmul.f32 v10, v10;
	v20 =	vadd.f32 v10, v20;
	v24 =	vld [tilespmem:s26+$0x10470]  }
0x107: {  	v11 =	vadd.f32 v12, v11;
	v17 =	vadd.f32 v18, v17;
	v12 =	vmul.f32 v14, v13  }
0x108: {  	v13 =	vadd.f32 v23, v22;
	v18 =	vmul.f32 v8, v8;
	v14 =	vadd.f32 v8, v20  }
0x109: {  	v11 =	vadd.f32 v19, v11;
	v20 =	vmul.f32 v17, v17;
	v9 =	vadd.f32 v9, v21  }
0x10a: {  	v13 =	vadd.f32 v18, v13;
	v14 =	vadd.f32 v17, v14  }
0x10b: {  	v12 =	vadd.f32 v12, v9;
	v9 =	vadd.f32 v15, v24  }
0x10c: {  	v13 =	vadd.f32 v20, v13;
	v15 =	vmul.f32 v11, v11;
	v14 =	vadd.f32 v11, v14  }
0x10d: {  	v18 =	vmul.f32 v12, v12;
	v16 =	vadd.f32 v16, v9  }
0x10e: {  	v9 =	vadd.f32 v15, v13;
	v13 =	vadd.f32 v12, v14;
	_ =	sdelay $0x1  }
0x10f: {  	v9 =	vadd.f32 v18, v9;
	v14 =	vmul.f32 v16, v16;
	v13 =	vadd.f32 v16, v13;
	_ =	sdelay $0x1  }
0x110: {  	v9 =	vadd.f32 v14, v9;
	v14 =	vperm.xlane v13, v1;
	_ =	sdelay $0x1  }
0x111: {  	v13 =	vadd.f32 v13, v14;
	v14 =	vperm.xlane v9, v1;
	_ =	sdelay $0x1  }
0x112: {  	v15 =	vperm.xlane v13, v2;
	v9 =	vadd.f32 v14, v9;
	_ =	sdelay $0x1  }
0x113: {  	v13 =	vadd.f32 v13, v15;
	v14 =	vperm.xlane v9, v2;
	_ =	sdelay $0x1  }
0x114: {  	v15 =	vperm.xlane v13, v3;
	v9 =	vadd.f32 v14, v9;
	_ =	sdelay $0x1  }
0x115: {  	v13 =	vadd.f32 v13, v15;
	v14 =	vperm.xlane v9, v3;
	_ =	sdelay $0x1  }
0x116: {  	v15 =	vperm.xlane v13, v4;
	v9 =	vadd.f32 v14, v9;
	_ =	sdelay $0x1  }
0x117: {  	v13 =	vadd.f32 v13, v15;
	v14 =	vperm.xlane v9, v4;
	_ =	sdelay $0x1  }
0x118: {  	v13 =	vmul.f32 $7.812500000e-03, v13;
	v9 =	vadd.f32 v14, v9;
	_ =	sdelay $0x1  }
0x119: {  	v9 =	vmul.f32 $7.812500000e-03, v9;
	v14 =	vmul.f32 v13, v13;
	v15 =	vsub.f32 v7, v13  }
0x11a: {  	v18 =	vsub.f32 v6, v13;
	v10 =	vsub.f32 v10, v13  }
0x11b: {  	v6 =	vsub.f32 v9, v14;
	v14 =	vsub.f32 v8, v13  }
0x11c: {  	v17 =	vsub.f32 v17, v13;
	v9 =	vsub.f32 v11, v13  }
0x11d: {  	v8 =	vsub.f32 v12, v13;
	v6 =	vadd.f32 $9.999999960e-13, v6  }
0x11e: {  	v7 =	vsub.f32 v16, v13  }
0x11f: {  	v11 =	vshra.s32 v6, $0x1;
	v6 =	vmul.f32 $5.000000000e-01, v6  }
0x120: {  	v11 =	vsub.s32 $0x5F3759DF, v11  }
0x121: {  	v12 =	vmul.f32 v11, v6;
	_ =	sdelay $0x1  }
0x122: {  	v12 =	vmul.f32 v11, v12;
	_ =	sdelay $0x1  }
0x123: {  	v12 =	vsub.f32 $1.500000000e+00, v12;
	_ =	sdelay $0x1  }
0x124: {  	v11 =	vmul.f32 v11, v12;
	_ =	sdelay $0x1  }
0x125: {  	v12 =	vmul.f32 v11, v6;
	_ =	sdelay $0x1  }
0x126: {  	v12 =	vmul.f32 v12, v11;
	_ =	sdelay $0x1  }
0x127: {  	v12 =	vsub.f32 $1.500000000e+00, v12;
	_ =	sdelay $0x1  }
0x128: {  	v11 =	vmul.f32 v12, v11;
	_ =	sdelay $0x1  }
0x129: {  	v6 =	vmul.f32 v11, v6;
	_ =	sdelay $0x1  }
0x12a: {  	v6 =	vmul.f32 v6, v11;
	_ =	sdelay $0x1  }
0x12b: {  	v6 =	vsub.f32 $1.500000000e+00, v6  }
0x12c: {  	v12 =	vld [tilespmem:$0x10180]  }
0x12d: {  	v6 =	vmul.f32 v6, v11  }
0x12e: {  	v11 =	vld [tilespmem:$0x10200]  }
0x12f: {  	v13 =	vmul.f32 v6, v15;
	_ =	sdelay $0x1  }
0x130: {  	v12 =	vmul.f32 v13, v12;
	_ =	sdelay $0x1  }
0x131: {  	v11 =	vadd.f32 v12, v11;
	_ =	sdelay $0x1  }
0x132: {  	[tilespmem:s26+$0x10400] =	vst v11  }
0x133: {  	v11 =	vld [tilespmem:$0x10190];
	_ =	sdelay $0x1  }
0x134: {  	v12 =	vld [tilespmem:$0x10210]  }
0x135: {  	v13 =	vmul.f32 v6, v18;
	_ =	sdelay $0x1  }
0x136: {  	v11 =	vmul.f32 v13, v11;
	_ =	sdelay $0x1  }
0x137: {  	v11 =	vadd.f32 v11, v12;
	_ =	sdelay $0x1  }
0x138: {  	[tilespmem:s26+$0x10410] =	vst v11  }
0x139: {  	v11 =	vld [tilespmem:$0x101A0];
	_ =	sdelay $0x1  }
0x13a: {  	v12 =	vld [tilespmem:$0x10220]  }
0x13b: {  	v10 =	vmul.f32 v6, v10;
	_ =	sdelay $0x1  }
0x13c: {  	v10 =	vmul.f32 v10, v11;
	_ =	sdelay $0x1  }
0x13d: {  	v10 =	vadd.f32 v10, v12;
	_ =	sdelay $0x1  }
0x13e: {  	[tilespmem:s26+$0x10420] =	vst v10  }
0x13f: {  	v10 =	vld [tilespmem:$0x101B0];
	_ =	sdelay $0x1  }
0x140: {  	v11 =	vld [tilespmem:$0x10230]  }
0x141: {  	v12 =	vmul.f32 v6, v14;
	_ =	sdelay $0x1  }
0x142: {  	v10 =	vmul.f32 v12, v10;
	_ =	sdelay $0x1  }
0x143: {  	v10 =	vadd.f32 v10, v11;
	_ =	sdelay $0x1  }
0x144: {  	[tilespmem:s26+$0x10430] =	vst v10  }
0x145: {  	v10 =	vld [tilespmem:$0x101C0];
	_ =	sdelay $0x1  }
0x146: {  	v11 =	vld [tilespmem:$0x10240]  }
0x147: {  	v12 =	vmul.f32 v6, v17;
	_ =	sdelay $0x1  }
0x148: {  	v10 =	vmul.f32 v12, v10;
	_ =	sdelay $0x1  }
0x149: {  	v10 =	vadd.f32 v10, v11;
	_ =	sdelay $0x1  }
0x14a: {  	[tilespmem:s26+$0x10440] =	vst v10  }
0x14b: {  	v10 =	vld [tilespmem:$0x101D0]  }
0x14c: {  	v11 =	vld [tilespmem:$0x10250];
	_ =	sdelay $0x1  }
0x14d: {  	v9 =	vmul.f32 v6, v9;
	_ =	sdelay $0x1  }
0x14e: {  	v9 =	vmul.f32 v9, v10;
	_ =	sdelay $0x1  }
0x14f: {  	v9 =	vadd.f32 v9, v11;
	_ =	sdelay $0x1  }
.Ltmp1:
0x150: {  	[tilespmem:s26+$0x10450] =	vst v9;
	(pc) =	sbr.rel @p0 .LBB2_5-.Ltmp1, $3  }
0x151: {  	v10 =	vld [tilespmem:$0x101E0]  }
0x152: {  	v9 =	vld [tilespmem:$0x10260];
	_ =	sdelay $0x1  }
0x153: {  	v8 =	vmul.f32 v6, v8  }
0x154: {  	_ = 	snop  }
0x155: {  	v5 =	vmul.f32 v8, v10;
	_ =	sdelay $0x1  }
0x156: {  	v5 =	vadd.f32 v5, v9;
	_ =	sdelay $0x1  }
0x157: {  	[tilespmem:s26+$0x10460] =	vst v5  }
0x158: {  	v5 =	vld [tilespmem:$0x101F0];
	_ =	sdelay $0x1  }
0x159: {  	v63 =	vld [tilespmem:$0x10270]  }
0x15a: {  	v6 =	vmul.f32 v6, v7;
	_ =	sdelay $0x1  }
0x15b: {  	v5 =	vmul.f32 v5, v6;
	_ =	sdelay $0x1  }
0x15c: {  	s24 =	sadd.s32 $0x1, s24;
	v5 =	vadd.f32 v63, v5  }
0x15d: {  	s25 =	sshll.u32 s25, $0x4;
	p0 =	sne.s32 s24, $0x80  }
.Ltmp2:
0x15e: {  	s25 =	sadd.s32 s5, s25;
	[tilespmem:s26+$0x10470] =	vst v5;
	(pc) =	sbr.rel @p0 .LBB2_4-.Ltmp2, $4  }
0x15f: {  	[hbm4b:s25+s6] =	stream.linear.scatter [tilespmem:s19], [sflag:$0x2], $0x4000, $0x38;
	[tilespmem:$0x14400] =	vst v63  }
0x160: {  	_ =	swait.ge [sflag:s13], $0x4000  }
0x161: {  	[sflag:s13] =	ssyncset.done $0x0  }
0x162: {  	s23 =	sadd.s32 $0x1, s23;
	[sflag:s13] =	ssyncadd.s32 $0xFFFFC000  }
0x163: {  	s21 =	sadd.s32 $0x1, s21  }
0x164: {  	p0 =	sne.s32 s21, s12  }
.Ltmp3:
0x165: {  	_ = 	snop;
	(pc) =	sbr.rel @p0 .LBB2_1-.Ltmp3, $1  }
0x166: {  	_ =	sdelay $0x3  }
0x167: {  	_ =	sfence.sel $0x180000  }
0x168: {  	[bflag:$0x0] =	sbarrier.arrive $0xFFFF  }
0x169: {  	p0 =	sne.s32 s8, $0x0;
	_ =	strace $0x90000047  }
0x16a: {  	s0 =	sadd.s32 @!p0 $0x100000, s7;
	[bflag:$0x2] =	sbarrier.arrive $0xFFFF  }
0x16b: {  	[sflag:s0] =	ssyncadd.tile.s32 @!p0 $0x1;
	_ =	shalt  }
.Lfunc_end2:
_tile_overlayer_lowered:
.L_overlay_start_2:
0x16c: {  	(tag) =	ssettag $0x2  }
0x16d: {  	s0 =	rddreg [dreg:$0x0];
	s2 =	stileid.u32  }
0x16e: {  	s1 =	rddreg [dreg:$0x1];
	p0 =	sne.s32 s2, $0x0  }
0x16f: {  	s3 =	rddreg [dreg:$0x2];
	[bflag:$0x3] =	sbarrier.arrive $0xFFFF;
	s2 =	simm.s32 @!p0 $0x1C02  }
0x170: {  	[timem:s3], [sflag:s2] =	dma.local @!p0 [hbm:s0], s1  }
0x171: {  	s0 =	simm.s32 @!p0 $0x2  }
0x172: {  	_ =	swait.ge @!p0 [sflag:s0], s1  }
0x173: {  	s1 =	ssub.s32 @!p0 $0x0, s1;
	[sflag:s0] =	ssyncset.done @!p0 $0x0  }
0x174: {  	[sflag:s0] =	ssyncadd.s32 @!p0 s1  }
0x175: {  	[bflag:$0x3] =	sbarrier.arrive $0xFFFF  }
0x176: {  	_ =	shalt  }

</sc_bundles>
